<compile_context>
chip_gen: v7x
topology: tpu7x:2x2x1
jax: 0.10.2.dev20260603
libtpu: 0.0.44.dev20260713+nightly
codegen_flags: <defaults>
</compile_context>

<pallas_src>
import functools

import jax
import jax.numpy as jnp
from jax import lax
from jax.experimental import pallas as pl
from jax.experimental.pallas import tpu as pltpu
from jax.experimental.pallas import tpu_sc as plsc

NC = 2
NS = 16
NW = NC * NS
K = 80


def _leaky(v):
    return jnp.where(v >= 0, v, 0.1 * v)


def _make_s1(N, Np, D, E):
    epw = E // NW
    nchunk = epw // K
    rps = Np // NS
    nio = rps // K
    mesh = plsc.VectorSubcoreMesh(core_axis_name="c", subcore_axis_name="s")

    @functools.partial(
        pl.kernel,
        mesh=mesh,
        out_type=[
            jax.ShapeDtypeStruct((NC, Np, D), jnp.float32),
            jax.ShapeDtypeStruct((NC, Np, 16), jnp.float32),
        ],
        scratch_types=[
            pltpu.VMEM((K,), jnp.int32),
            pltpu.VMEM((K,), jnp.int32),
            pltpu.VMEM((K, D), jnp.float32),
            pltpu.VMEM((K, 16), jnp.float32),
            pltpu.VMEM((K, 16), jnp.float32),
            pltpu.VMEM_SHARED((Np, D), jnp.float32),
            pltpu.VMEM_SHARED((Np, 16), jnp.float32),
        ],
        compiler_params=pltpu.CompilerParams(use_tc_tiling_on_sc=False),
    )
    def s1(x_hbm, src_hbm, dst_hbm, zx_hbm, zc_hbm, ones_hbm,
           sums_out, cnt_out, idx_s, idx_d, rows, ones_v, c16, acc, acc_cnt):
        c = lax.axis_index("c")
        s = lax.axis_index("s")
        wid = s * NC + c
        pltpu.sync_copy(zx_hbm, rows)
        pltpu.sync_copy(zc_hbm, c16)
        pltpu.sync_copy(ones_hbm, ones_v)

        def zchunk(j, carry):
            pltpu.sync_copy(rows, acc.at[pl.ds(s * rps + j * K, K)])
            pltpu.sync_copy(c16, acc_cnt.at[pl.ds(s * rps + j * K, K)])
            return carry

        lax.fori_loop(0, nio, zchunk, 0)
        plsc.subcore_barrier()

        base = wid * epw

        def chunk(i, carry):
            off = base + i * K
            pltpu.sync_copy(src_hbm.at[pl.ds(off, K)], idx_s)
            pltpu.sync_copy(dst_hbm.at[pl.ds(off, K)], idx_d)
            pltpu.sync_copy(x_hbm.at[idx_s], rows)
            pltpu.sync_copy(rows, acc.at[idx_d], add=True)
            pltpu.sync_copy(ones_v, acc_cnt.at[idx_d], add=True)
            return carry

        lax.fori_loop(0, nchunk, chunk, 0)
        plsc.subcore_barrier()

        def ochunk(j, carry):
            r0 = s * rps + j * K
            pltpu.sync_copy(acc.at[pl.ds(r0, K)], rows)
            pltpu.sync_copy(rows, sums_out.at[c, pl.ds(r0, K)])
            pltpu.sync_copy(acc_cnt.at[pl.ds(r0, K)], c16)
            pltpu.sync_copy(c16, cnt_out.at[c, pl.ds(r0, K)])
            return carry

        lax.fori_loop(0, nio, ochunk, 0)

    return s1


def _t1_body(sp_ref, cp_ref, x_ref, wl_ref, bl_ref, wr_ref, wf_ref,
             a_ref, b_ref, *, N, D):
    sums = sp_ref[0, :N] + sp_ref[1, :N]
    cnt = cp_ref[0, :N, 0:1] + cp_ref[1, :N, 0:1]
    agg = sums / jnp.maximum(cnt, 1.0)
    h0 = (jnp.dot(agg, wl_ref[...], preferred_element_type=jnp.float32)
          + jnp.dot(x_ref[...], wr_ref[...], preferred_element_type=jnp.float32)
          + bl_ref[...])
    mu = jnp.mean(h0, axis=0, keepdims=True)
    xc = h0 - mu
    denom = jnp.sqrt(1e-5 + jnp.sum(xc * xc) / N)
    h = _leaky(xc / denom)
    a_ref[...] = jnp.dot(h, wf_ref[:D], preferred_element_type=jnp.float32)
    b_ref[...] = jnp.dot(h, wf_ref[D:], preferred_element_type=jnp.float32)


def _make_s2(N, F1, E):
    epw = E // NW
    nchunk = epw // K
    mesh = plsc.VectorSubcoreMesh(core_axis_name="c", subcore_axis_name="s")

    @functools.partial(
        pl.kernel,
        mesh=mesh,
        out_type=[
            jax.ShapeDtypeStruct((E, F1), jnp.float32),
            jax.ShapeDtypeStruct((E, F1), jnp.float32),
        ],
        scratch_types=[
            pltpu.VMEM((K,), jnp.int32),
            pltpu.VMEM((K,), jnp.int32),
            pltpu.VMEM((K, F1), jnp.float32),
            pltpu.VMEM((K, F1), jnp.float32),
        ],
        compiler_params=pltpu.CompilerParams(use_tc_tiling_on_sc=False),
    )
    def s2(a_hbm, b_hbm, src_hbm, dst_hbm, as_out, bd_out,
           idx_s, idx_d, buf_a, buf_b):
        c = lax.axis_index("c")
        s = lax.axis_index("s")
        wid = s * NC + c
        base = wid * epw

        def chunk(i, carry):
            off = base + i * K
            pltpu.sync_copy(src_hbm.at[pl.ds(off, K)], idx_s)
            pltpu.sync_copy(dst_hbm.at[pl.ds(off, K)], idx_d)
            pltpu.sync_copy(a_hbm.at[idx_s], buf_a)
            pltpu.sync_copy(b_hbm.at[idx_d], buf_b)
            pltpu.sync_copy(buf_a, as_out.at[pl.ds(off, K)])
            pltpu.sync_copy(buf_b, bd_out.at[pl.ds(off, K)])
            return carry

        lax.fori_loop(0, nchunk, chunk, 0)

    return s2


def _t2_body(as_ref, bd_ref, bf_ref, wo_ref, bo_ref, out_ref):
    z = as_ref[...] + bd_ref[...] + bf_ref[...]
    e = _leaky(z)
    out_ref[...] = (jnp.dot(e, wo_ref[...], preferred_element_type=jnp.float32)
                    + bo_ref[...])


def kernel(x, edge_index, edge_attr, Wl, bl, Wr, Wf0, bf0, Wout, bout):
    del edge_attr
    N, D = x.shape
    E = edge_index.shape[1]
    F1 = Wf0.shape[1]
    OUT = Wout.shape[1]
    src = edge_index[0]
    dst = edge_index[1]

    Np = ((N + (NS * K) - 1) // (NS * K)) * (NS * K)
    zx = jnp.zeros((K, D), jnp.float32)
    zc = jnp.zeros((K, 16), jnp.float32)
    ones = jnp.ones((K, 16), jnp.float32)

    sums_p, cnt_p = _make_s1(N, Np, D, E)(x, src, dst, zx, zc, ones)

    a_tab, b_tab = pl.pallas_call(
        functools.partial(_t1_body, N=N, D=D),
        out_shape=[
            jax.ShapeDtypeStruct((N, F1), jnp.float32),
            jax.ShapeDtypeStruct((N, F1), jnp.float32),
        ],
    )(sums_p, cnt_p, x, Wl, bl.reshape(1, D), Wr, Wf0)

    a_e, b_e = _make_s2(N, F1, E)(a_tab, b_tab, src, dst)

    BE = 8000
    out = pl.pallas_call(
        _t2_body,
        grid=(E // BE,),
        in_specs=[
            pl.BlockSpec((BE, F1), lambda i: (i, 0)),
            pl.BlockSpec((BE, F1), lambda i: (i, 0)),
            pl.BlockSpec((1, F1), lambda i: (0, 0)),
            pl.BlockSpec((F1, OUT), lambda i: (0, 0)),
            pl.BlockSpec((1, OUT), lambda i: (0, 0)),
        ],
        out_specs=pl.BlockSpec((BE, OUT), lambda i: (i, 0)),
        out_shape=jax.ShapeDtypeStruct((E, OUT), jnp.float32),
    )(a_e, b_e, bf0.reshape(1, F1), Wout, bout.reshape(1, OUT))

    return out

# --- scband reference (transcript-rebuilt; emitter-appended) ---
"""Pipeline reference for scband-edge-attribute-predictor-conv-norm-36197984370744 (READ-ONLY COPY).

The authoritative reference and input builder live on the scoring server;
editing this copy changes nothing except your own understanding.
"""

import jax, jax.numpy as jnp
import numpy as np

N = 10000
E = 320000
D = 128
C = 128
F1 = 64
OUT = 16


def _leaky(x):
    return jnp.where(x >= 0, x, 0.1 * x)


def _pair_norm(x, scale=1.0, eps=1e-5):
    # PyG PairNorm, mode 'PN': center over nodes, scale by mean per-node sq-norm
    xc = x - x.mean(axis=0, keepdims=True)
    return scale * xc / jnp.sqrt(eps + (xc ** 2).sum(axis=-1).mean())


def setup_inputs(seed: int = 0) -> dict:
    key = jax.random.key(seed)
    ks = jax.random.split(key, 12)
    x = jax.random.normal(ks[0], (N, D), dtype=jnp.float32)
    edge_index = jax.random.randint(ks[1], (2, E), 0, N, dtype=jnp.int32)
    edge_attr = jax.random.normal(ks[2], (E, 16), dtype=jnp.float32)
    # SAGEConv(in=128, out=128, aggr='mean'): lin_l (on aggregated, with bias), lin_r (on root, no bias)
    Wl = jax.random.normal(ks[3], (D, C), dtype=jnp.float32) * 0.05
    bl = jax.random.normal(ks[4], (C,), dtype=jnp.float32) * 0.05
    Wr = jax.random.normal(ks[5], (D, C), dtype=jnp.float32) * 0.05
    # fc_net: Linear(2*C -> 64)
    Wf0 = jax.random.normal(ks[6], (2 * C, F1), dtype=jnp.float32) * 0.05
    bf0 = jax.random.normal(ks[7], (F1,), dtype=jnp.float32) * 0.05
    # fc_out: Linear(64 -> 16)
    Wout = jax.random.normal(ks[8], (F1, OUT), dtype=jnp.float32) * 0.05
    bout = jax.random.normal(ks[9], (OUT,), dtype=jnp.float32) * 0.05
    return {"x": x, "edge_index": edge_index, "edge_attr": edge_attr,
            "Wl": Wl, "bl": bl, "Wr": Wr, "Wf0": Wf0, "bf0": bf0,
            "Wout": Wout, "bout": bout}


def reference(x, edge_index, edge_attr, Wl, bl, Wr, Wf0, bf0, Wout, bout):
    src, dst = edge_index[0], edge_index[1]
    # node_repr computed in original forward (unused when rescon_mode=False)
    node_repr = jnp.concatenate([x[src], x[dst]], axis=-1)
    del node_repr
    # SAGEConv mean aggregation: messages x[src] aggregated at dst
    sums = jax.ops.segment_sum(x[src], dst, num_segments=N)
    cnt = jax.ops.segment_sum(jnp.ones((E,), dtype=x.dtype), dst, num_segments=N)
    agg = sums / jnp.clip(cnt, 1.0)[:, None]
    h = agg @ Wl + bl + x @ Wr
    h = _leaky(_pair_norm(h))
    # conv_node_repr = cat(h[src], h[dst])  (prod_mode=False)
    rep = jnp.concatenate([h[src], h[dst]], axis=-1)
    e = _leaky(rep @ Wf0 + bf0)
    out = e @ Wout + bout
    return out

if __name__ == "__main__":
    import jax
    _d = setup_inputs()
    print(jax.jit(kernel)(*tuple(_d.values())))

</pallas_src>

<mosaic_0001>
#map = affine_map<(d0, d1) -> (0, 0)>
#map1 = affine_map<(d0, d1) -> (0)>
module attributes {stable_mosaic.version = 14 : i64} {
  func.func @s2(%arg0: i32, %arg1: i32, %arg2: memref<10000x64xf32, #tpu.memory_space<hbm>>, %arg3: memref<10000x64xf32, #tpu.memory_space<hbm>>, %arg4: memref<320000xi32, #tpu.memory_space<hbm>>, %arg5: memref<320000xi32, #tpu.memory_space<hbm>>, %arg6: memref<320000x64xf32, #tpu.memory_space<hbm>>, %arg7: memref<320000x64xf32, #tpu.memory_space<hbm>>, %arg8: memref<80xi32, #tpu.memory_space<vmem>>, %arg9: memref<80xi32, #tpu.memory_space<vmem>>, %arg10: memref<80x64xf32, #tpu.memory_space<vmem>>, %arg11: memref<80x64xf32, #tpu.memory_space<vmem>>) attributes {dimension_semantics = [#tpu.dimension_semantics<core_parallel>, #tpu.dimension_semantics<subcore_parallel>], iteration_bounds = array<i64: 2, 16>, scalar_prefetch = 0 : i64, scratch_operands = 4 : i64, tpu.core_type = #tpu.core_type<sc_vector_subcore>, window_params = [{transform_indices = #map}, {transform_indices = #map}, {transform_indices = #map1}, {transform_indices = #map1}, {transform_indices = #map}, {transform_indices = #map}]} {
    %mul3A = arith.constant 2 : i32
    %mul3A_0 = arith.muli %arg1, %mul3A : i32
    %add3A = arith.addi %mul3A_0, %arg0 : i32
    %mul3A_1 = arith.constant 10000 : i32
    %mul3A_2 = arith.muli %add3A, %mul3A_1 : i32
    %scan3A = arith.constant 0 : i32
    %scan3A_3 = arith.constant 0 : i32
    %scan3A_4 = arith.constant 125 : i32
    %scan3A_5 = arith.addi %scan3A_3, %scan3A_4 : i32
    %scan3A_6 = arith.constant 1 : i32
    scf.for %scan3A_8 = %scan3A_3 to %scan3A_5 step %scan3A_6  : i32 {
      %mul3A_9 = arith.constant 80 : i32
      %mul3A_10 = arith.muli %scan3A_8, %mul3A_9 : i32
      %add3A_11 = arith.addi %mul3A_2, %mul3A_10 : i32
      "tpu.region"() ({
        %run_scoped3A = tpu.sem_alloc : memref<!tpu.dma_semaphore, #tpu.memory_space<semaphore_mem>>
        %dma_start3A = tpu.memref_slice %arg4[%add3A_11] : memref<320000xi32, #tpu.memory_space<hbm>> -> memref<80xi32, #tpu.memory_space<hbm>>
        %dma_start3A_12 = tpu.memref_slice %arg4[%add3A_11] : memref<320000xi32, #tpu.memory_space<hbm>> -> memref<80xi32, #tpu.memory_space<hbm>>
        tpu.enqueue_dma source(%dma_start3A_12 : memref<80xi32, #tpu.memory_space<hbm>>) target(%arg8 : memref<80xi32, #tpu.memory_space<vmem>>) target_semaphore(%run_scoped3A : memref<!tpu.dma_semaphore, #tpu.memory_space<semaphore_mem>>)
        %dma_wait3A = tpu.memref_slice %arg4[%add3A_11] : memref<320000xi32, #tpu.memory_space<hbm>> -> memref<80xi32, #tpu.memory_space<hbm>>
        %dma_wait3A_13 = tpu.memref_slice %arg4[%add3A_11] : memref<320000xi32, #tpu.memory_space<hbm>> -> memref<80xi32, #tpu.memory_space<hbm>>
        tpu.wait_dma2 semaphore(%run_scoped3A : memref<!tpu.dma_semaphore, #tpu.memory_space<semaphore_mem>>) src(%dma_wait3A_13 : memref<80xi32, #tpu.memory_space<hbm>>) dst(%arg8 : memref<80xi32, #tpu.memory_space<vmem>>)
        tpu.yield
      }) : () -> ()
      "tpu.region"() ({
        %run_scoped3A = tpu.sem_alloc : memref<!tpu.dma_semaphore, #tpu.memory_space<semaphore_mem>>
        %dma_start3A = tpu.memref_slice %arg5[%add3A_11] : memref<320000xi32, #tpu.memory_space<hbm>> -> memref<80xi32, #tpu.memory_space<hbm>>
        %dma_start3A_12 = tpu.memref_slice %arg5[%add3A_11] : memref<320000xi32, #tpu.memory_space<hbm>> -> memref<80xi32, #tpu.memory_space<hbm>>
        tpu.enqueue_dma source(%dma_start3A_12 : memref<80xi32, #tpu.memory_space<hbm>>) target(%arg9 : memref<80xi32, #tpu.memory_space<vmem>>) target_semaphore(%run_scoped3A : memref<!tpu.dma_semaphore, #tpu.memory_space<semaphore_mem>>)
        %dma_wait3A = tpu.memref_slice %arg5[%add3A_11] : memref<320000xi32, #tpu.memory_space<hbm>> -> memref<80xi32, #tpu.memory_space<hbm>>
        %dma_wait3A_13 = tpu.memref_slice %arg5[%add3A_11] : memref<320000xi32, #tpu.memory_space<hbm>> -> memref<80xi32, #tpu.memory_space<hbm>>
        tpu.wait_dma2 semaphore(%run_scoped3A : memref<!tpu.dma_semaphore, #tpu.memory_space<semaphore_mem>>) src(%dma_wait3A_13 : memref<80xi32, #tpu.memory_space<hbm>>) dst(%arg9 : memref<80xi32, #tpu.memory_space<vmem>>)
        tpu.yield
      }) : () -> ()
      "tpu.region"() ({
        %run_scoped3A = tpu.sem_alloc : memref<!tpu.dma_semaphore, #tpu.memory_space<semaphore_mem>>
        %dma_start3A = arith.constant 0 : i32
        %dma_start3A_12 = arith.constant 0 : i32
        %dma_start3A_13 = tpu.memref_slice %arg2[%dma_start3A, %dma_start3A_12] : memref<10000x64xf32, #tpu.memory_space<hbm>> -> memref<10000x64xf32, #tpu.memory_space<hbm>>
        tpu.enqueue_indirect_dma source(%dma_start3A_13 : memref<10000x64xf32, #tpu.memory_space<hbm>>) target(%arg10 : memref<80x64xf32, #tpu.memory_space<vmem>>) offsets(%arg8 : memref<80xi32, #tpu.memory_space<vmem>>) semaphore(%run_scoped3A : memref<!tpu.dma_semaphore, #tpu.memory_space<semaphore_mem>>)
        %dma_wait3A = arith.constant 0 : i32
        %dma_wait3A_14 = arith.constant 0 : i32
        %dma_wait3A_15 = tpu.memref_slice %arg2[%dma_wait3A, %dma_wait3A_14] : memref<10000x64xf32, #tpu.memory_space<hbm>> -> memref<10000x64xf32, #tpu.memory_space<hbm>>
        tpu.wait_indirect_dma semaphore(%run_scoped3A : memref<!tpu.dma_semaphore, #tpu.memory_space<semaphore_mem>>) src(%dma_wait3A_15 : memref<10000x64xf32, #tpu.memory_space<hbm>>) dst(%arg10 : memref<80x64xf32, #tpu.memory_space<vmem>>)
        tpu.yield
      }) : () -> ()
      "tpu.region"() ({
        %run_scoped3A = tpu.sem_alloc : memref<!tpu.dma_semaphore, #tpu.memory_space<semaphore_mem>>
        %dma_start3A = arith.constant 0 : i32
        %dma_start3A_12 = arith.constant 0 : i32
        %dma_start3A_13 = tpu.memref_slice %arg3[%dma_start3A, %dma_start3A_12] : memref<10000x64xf32, #tpu.memory_space<hbm>> -> memref<10000x64xf32, #tpu.memory_space<hbm>>
        tpu.enqueue_indirect_dma source(%dma_start3A_13 : memref<10000x64xf32, #tpu.memory_space<hbm>>) target(%arg11 : memref<80x64xf32, #tpu.memory_space<vmem>>) offsets(%arg9 : memref<80xi32, #tpu.memory_space<vmem>>) semaphore(%run_scoped3A : memref<!tpu.dma_semaphore, #tpu.memory_space<semaphore_mem>>)
        %dma_wait3A = arith.constant 0 : i32
        %dma_wait3A_14 = arith.constant 0 : i32
        %dma_wait3A_15 = tpu.memref_slice %arg3[%dma_wait3A, %dma_wait3A_14] : memref<10000x64xf32, #tpu.memory_space<hbm>> -> memref<10000x64xf32, #tpu.memory_space<hbm>>
        tpu.wait_indirect_dma semaphore(%run_scoped3A : memref<!tpu.dma_semaphore, #tpu.memory_space<semaphore_mem>>) src(%dma_wait3A_15 : memref<10000x64xf32, #tpu.memory_space<hbm>>) dst(%arg11 : memref<80x64xf32, #tpu.memory_space<vmem>>)
        tpu.yield
      }) : () -> ()
      "tpu.region"() ({
        %run_scoped3A = tpu.sem_alloc : memref<!tpu.dma_semaphore, #tpu.memory_space<semaphore_mem>>
        %dma_start3A = arith.constant 0 : i32
        %dma_start3A_12 = tpu.memref_slice %arg6[%add3A_11, %dma_start3A] : memref<320000x64xf32, #tpu.memory_space<hbm>> -> memref<80x64xf32, #tpu.memory_space<hbm>>
        %dma_start3A_13 = arith.constant 0 : i32
        %dma_start3A_14 = tpu.memref_slice %arg6[%add3A_11, %dma_start3A_13] : memref<320000x64xf32, #tpu.memory_space<hbm>> -> memref<80x64xf32, #tpu.memory_space<hbm>>
        tpu.enqueue_dma source(%arg10 : memref<80x64xf32, #tpu.memory_space<vmem>>) target(%dma_start3A_14 : memref<80x64xf32, #tpu.memory_space<hbm>>) target_semaphore(%run_scoped3A : memref<!tpu.dma_semaphore, #tpu.memory_space<semaphore_mem>>)
        %dma_wait3A = arith.constant 0 : i32
        %dma_wait3A_15 = tpu.memref_slice %arg6[%add3A_11, %dma_wait3A] : memref<320000x64xf32, #tpu.memory_space<hbm>> -> memref<80x64xf32, #tpu.memory_space<hbm>>
        %dma_wait3A_16 = arith.constant 0 : i32
        %dma_wait3A_17 = tpu.memref_slice %arg6[%add3A_11, %dma_wait3A_16] : memref<320000x64xf32, #tpu.memory_space<hbm>> -> memref<80x64xf32, #tpu.memory_space<hbm>>
        tpu.wait_dma2 semaphore(%run_scoped3A : memref<!tpu.dma_semaphore, #tpu.memory_space<semaphore_mem>>) src(%arg10 : memref<80x64xf32, #tpu.memory_space<vmem>>) dst(%dma_wait3A_17 : memref<80x64xf32, #tpu.memory_space<hbm>>)
        tpu.yield
      }) : () -> ()
      "tpu.region"() ({
        %run_scoped3A = tpu.sem_alloc : memref<!tpu.dma_semaphore, #tpu.memory_space<semaphore_mem>>
        %dma_start3A = arith.constant 0 : i32
        %dma_start3A_12 = tpu.memref_slice %arg7[%add3A_11, %dma_start3A] : memref<320000x64xf32, #tpu.memory_space<hbm>> -> memref<80x64xf32, #tpu.memory_space<hbm>>
        %dma_start3A_13 = arith.constant 0 : i32
        %dma_start3A_14 = tpu.memref_slice %arg7[%add3A_11, %dma_start3A_13] : memref<320000x64xf32, #tpu.memory_space<hbm>> -> memref<80x64xf32, #tpu.memory_space<hbm>>
        tpu.enqueue_dma source(%arg11 : memref<80x64xf32, #tpu.memory_space<vmem>>) target(%dma_start3A_14 : memref<80x64xf32, #tpu.memory_space<hbm>>) target_semaphore(%run_scoped3A : memref<!tpu.dma_semaphore, #tpu.memory_space<semaphore_mem>>)
        %dma_wait3A = arith.constant 0 : i32
        %dma_wait3A_15 = tpu.memref_slice %arg7[%add3A_11, %dma_wait3A] : memref<320000x64xf32, #tpu.memory_space<hbm>> -> memref<80x64xf32, #tpu.memory_space<hbm>>
        %dma_wait3A_16 = arith.constant 0 : i32
        %dma_wait3A_17 = tpu.memref_slice %arg7[%add3A_11, %dma_wait3A_16] : memref<320000x64xf32, #tpu.memory_space<hbm>> -> memref<80x64xf32, #tpu.memory_space<hbm>>
        tpu.wait_dma2 semaphore(%run_scoped3A : memref<!tpu.dma_semaphore, #tpu.memory_space<semaphore_mem>>) src(%arg11 : memref<80x64xf32, #tpu.memory_space<vmem>>) dst(%dma_wait3A_17 : memref<80x64xf32, #tpu.memory_space<hbm>>)
        tpu.yield
      }) : () -> ()
    }
    %scan3A_7 = arith.constant 125 : i32
    return
  }
}

#map = affine_map<(d0, d1) -> (0, 0)>
#map1 = affine_map<(d0, d1) -> (0)>
#map2 = affine_map<(d0, d1) -> (0, 0, 0)>
module attributes {stable_mosaic.version = 14 : i64} {
  func.func @s1(%arg0: i32, %arg1: i32, %arg2: memref<10000x128xf32, #tpu.memory_space<hbm>>, %arg3: memref<320000xi32, #tpu.memory_space<hbm>>, %arg4: memref<320000xi32, #tpu.memory_space<hbm>>, %arg5: memref<80x128xf32, #tpu.memory_space<hbm>>, %arg6: memref<80x16xf32, #tpu.memory_space<hbm>>, %arg7: memref<80x16xf32, #tpu.memory_space<hbm>>, %arg8: memref<2x10240x128xf32, #tpu.memory_space<hbm>>, %arg9: memref<2x10240x16xf32, #tpu.memory_space<hbm>>, %arg10: memref<80xi32, #tpu.memory_space<vmem>>, %arg11: memref<80xi32, #tpu.memory_space<vmem>>, %arg12: memref<80x128xf32, #tpu.memory_space<vmem>>, %arg13: memref<80x16xf32, #tpu.memory_space<vmem>>, %arg14: memref<80x16xf32, #tpu.memory_space<vmem>>, %arg15: memref<10240x128xf32, #tpu.memory_space<vmem_shared>>, %arg16: memref<10240x16xf32, #tpu.memory_space<vmem_shared>>) attributes {dimension_semantics = [#tpu.dimension_semantics<core_parallel>, #tpu.dimension_semantics<subcore_parallel>], iteration_bounds = array<i64: 2, 16>, scalar_prefetch = 0 : i64, scratch_operands = 7 : i64, tpu.core_type = #tpu.core_type<sc_vector_subcore>, window_params = [{transform_indices = #map}, {transform_indices = #map1}, {transform_indices = #map1}, {transform_indices = #map}, {transform_indices = #map}, {transform_indices = #map}, {transform_indices = #map2}, {transform_indices = #map2}]} {
    %mul3A = arith.constant 2 : i32
    %mul3A_0 = arith.muli %arg1, %mul3A : i32
    %add3A = arith.addi %mul3A_0, %arg0 : i32
    "tpu.region"() ({
      %run_scoped3A = tpu.sem_alloc : memref<!tpu.dma_semaphore, #tpu.memory_space<semaphore_mem>>
      tpu.enqueue_dma source(%arg5 : memref<80x128xf32, #tpu.memory_space<hbm>>) target(%arg12 : memref<80x128xf32, #tpu.memory_space<vmem>>) target_semaphore(%run_scoped3A : memref<!tpu.dma_semaphore, #tpu.memory_space<semaphore_mem>>)
      tpu.wait_dma2 semaphore(%run_scoped3A : memref<!tpu.dma_semaphore, #tpu.memory_space<semaphore_mem>>) src(%arg5 : memref<80x128xf32, #tpu.memory_space<hbm>>) dst(%arg12 : memref<80x128xf32, #tpu.memory_space<vmem>>)
      tpu.yield
    }) : () -> ()
    "tpu.region"() ({
      %run_scoped3A = tpu.sem_alloc : memref<!tpu.dma_semaphore, #tpu.memory_space<semaphore_mem>>
      tpu.enqueue_dma source(%arg6 : memref<80x16xf32, #tpu.memory_space<hbm>>) target(%arg14 : memref<80x16xf32, #tpu.memory_space<vmem>>) target_semaphore(%run_scoped3A : memref<!tpu.dma_semaphore, #tpu.memory_space<semaphore_mem>>)
      tpu.wait_dma2 semaphore(%run_scoped3A : memref<!tpu.dma_semaphore, #tpu.memory_space<semaphore_mem>>) src(%arg6 : memref<80x16xf32, #tpu.memory_space<hbm>>) dst(%arg14 : memref<80x16xf32, #tpu.memory_space<vmem>>)
      tpu.yield
    }) : () -> ()
    "tpu.region"() ({
      %run_scoped3A = tpu.sem_alloc : memref<!tpu.dma_semaphore, #tpu.memory_space<semaphore_mem>>
      tpu.enqueue_dma source(%arg7 : memref<80x16xf32, #tpu.memory_space<hbm>>) target(%arg13 : memref<80x16xf32, #tpu.memory_space<vmem>>) target_semaphore(%run_scoped3A : memref<!tpu.dma_semaphore, #tpu.memory_space<semaphore_mem>>)
      tpu.wait_dma2 semaphore(%run_scoped3A : memref<!tpu.dma_semaphore, #tpu.memory_space<semaphore_mem>>) src(%arg7 : memref<80x16xf32, #tpu.memory_space<hbm>>) dst(%arg13 : memref<80x16xf32, #tpu.memory_space<vmem>>)
      tpu.yield
    }) : () -> ()
    %scan3A = arith.constant 0 : i32
    %scan3A_1 = arith.constant 0 : i32
    %scan3A_2 = arith.constant 8 : i32
    %scan3A_3 = arith.addi %scan3A_1, %scan3A_2 : i32
    %scan3A_4 = arith.constant 1 : i32
    scf.for %scan3A_21 = %scan3A_1 to %scan3A_3 step %scan3A_4  : i32 {
      %mul3A_22 = arith.constant 640 : i32
      %mul3A_23 = arith.muli %arg1, %mul3A_22 : i32
      %mul3A_24 = arith.constant 80 : i32
      %mul3A_25 = arith.muli %scan3A_21, %mul3A_24 : i32
      %add3A_26 = arith.addi %mul3A_23, %mul3A_25 : i32
      "tpu.region"() ({
        %run_scoped3A = tpu.sem_alloc : memref<!tpu.dma_semaphore, #tpu.memory_space<semaphore_mem>>
        %dma_start3A = arith.constant 0 : i32
        %dma_start3A_32 = tpu.memref_slice %arg15[%add3A_26, %dma_start3A] : memref<10240x128xf32, #tpu.memory_space<vmem_shared>> -> memref<80x128xf32, #tpu.memory_space<vmem_shared>>
        %dma_start3A_33 = arith.constant 0 : i32
        %dma_start3A_34 = tpu.memref_slice %arg15[%add3A_26, %dma_start3A_33] : memref<10240x128xf32, #tpu.memory_space<vmem_shared>> -> memref<80x128xf32, #tpu.memory_space<vmem_shared>>
        tpu.enqueue_dma source(%arg12 : memref<80x128xf32, #tpu.memory_space<vmem>>) target(%dma_start3A_34 : memref<80x128xf32, #tpu.memory_space<vmem_shared>>) target_semaphore(%run_scoped3A : memref<!tpu.dma_semaphore, #tpu.memory_space<semaphore_mem>>)
        %dma_wait3A = arith.constant 0 : i32
        %dma_wait3A_35 = tpu.memref_slice %arg15[%add3A_26, %dma_wait3A] : memref<10240x128xf32, #tpu.memory_space<vmem_shared>> -> memref<80x128xf32, #tpu.memory_space<vmem_shared>>
        %dma_wait3A_36 = arith.constant 0 : i32
        %dma_wait3A_37 = tpu.memref_slice %arg15[%add3A_26, %dma_wait3A_36] : memref<10240x128xf32, #tpu.memory_space<vmem_shared>> -> memref<80x128xf32, #tpu.memory_space<vmem_shared>>
        tpu.wait_dma2 semaphore(%run_scoped3A : memref<!tpu.dma_semaphore, #tpu.memory_space<semaphore_mem>>) src(%arg12 : memref<80x128xf32, #tpu.memory_space<vmem>>) dst(%dma_wait3A_37 : memref<80x128xf32, #tpu.memory_space<vmem_shared>>)
        tpu.yield
      }) : () -> ()
      %mul3A_27 = arith.constant 640 : i32
      %mul3A_28 = arith.muli %arg1, %mul3A_27 : i32
      %mul3A_29 = arith.constant 80 : i32
      %mul3A_30 = arith.muli %scan3A_21, %mul3A_29 : i32
      %add3A_31 = arith.addi %mul3A_28, %mul3A_30 : i32
      "tpu.region"() ({
        %run_scoped3A = tpu.sem_alloc : memref<!tpu.dma_semaphore, #tpu.memory_space<semaphore_mem>>
        %dma_start3A = arith.constant 0 : i32
        %dma_start3A_32 = tpu.memref_slice %arg16[%add3A_31, %dma_start3A] : memref<10240x16xf32, #tpu.memory_space<vmem_shared>> -> memref<80x16xf32, #tpu.memory_space<vmem_shared>>
        %dma_start3A_33 = arith.constant 0 : i32
        %dma_start3A_34 = tpu.memref_slice %arg16[%add3A_31, %dma_start3A_33] : memref<10240x16xf32, #tpu.memory_space<vmem_shared>> -> memref<80x16xf32, #tpu.memory_space<vmem_shared>>
        tpu.enqueue_dma source(%arg14 : memref<80x16xf32, #tpu.memory_space<vmem>>) target(%dma_start3A_34 : memref<80x16xf32, #tpu.memory_space<vmem_shared>>) target_semaphore(%run_scoped3A : memref<!tpu.dma_semaphore, #tpu.memory_space<semaphore_mem>>)
        %dma_wait3A = arith.constant 0 : i32
        %dma_wait3A_35 = tpu.memref_slice %arg16[%add3A_31, %dma_wait3A] : memref<10240x16xf32, #tpu.memory_space<vmem_shared>> -> memref<80x16xf32, #tpu.memory_space<vmem_shared>>
        %dma_wait3A_36 = arith.constant 0 : i32
        %dma_wait3A_37 = tpu.memref_slice %arg16[%add3A_31, %dma_wait3A_36] : memref<10240x16xf32, #tpu.memory_space<vmem_shared>> -> memref<80x16xf32, #tpu.memory_space<vmem_shared>>
        tpu.wait_dma2 semaphore(%run_scoped3A : memref<!tpu.dma_semaphore, #tpu.memory_space<semaphore_mem>>) src(%arg14 : memref<80x16xf32, #tpu.memory_space<vmem>>) dst(%dma_wait3A_37 : memref<80x16xf32, #tpu.memory_space<vmem_shared>>)
        tpu.yield
      }) : () -> ()
    }
    %scan3A_5 = arith.constant 8 : i32
    %barrier3A = arith.constant 0 : index
    tpu.barrier barrier_id(%barrier3A)
    %mul3A_6 = arith.constant 10000 : i32
    %mul3A_7 = arith.muli %add3A, %mul3A_6 : i32
    %scan3A_8 = arith.constant 0 : i32
    %scan3A_9 = arith.constant 0 : i32
    %scan3A_10 = arith.constant 125 : i32
    %scan3A_11 = arith.addi %scan3A_9, %scan3A_10 : i32
    %scan3A_12 = arith.constant 1 : i32
    scf.for %scan3A_21 = %scan3A_9 to %scan3A_11 step %scan3A_12  : i32 {
      %mul3A_22 = arith.constant 80 : i32
      %mul3A_23 = arith.muli %scan3A_21, %mul3A_22 : i32
      %add3A_24 = arith.addi %mul3A_7, %mul3A_23 : i32
      "tpu.region"() ({
        %run_scoped3A = tpu.sem_alloc : memref<!tpu.dma_semaphore, #tpu.memory_space<semaphore_mem>>
        %dma_start3A = tpu.memref_slice %arg3[%add3A_24] : memref<320000xi32, #tpu.memory_space<hbm>> -> memref<80xi32, #tpu.memory_space<hbm>>
        %dma_start3A_25 = tpu.memref_slice %arg3[%add3A_24] : memref<320000xi32, #tpu.memory_space<hbm>> -> memref<80xi32, #tpu.memory_space<hbm>>
        tpu.enqueue_dma source(%dma_start3A_25 : memref<80xi32, #tpu.memory_space<hbm>>) target(%arg10 : memref<80xi32, #tpu.memory_space<vmem>>) target_semaphore(%run_scoped3A : memref<!tpu.dma_semaphore, #tpu.memory_space<semaphore_mem>>)
        %dma_wait3A = tpu.memref_slice %arg3[%add3A_24] : memref<320000xi32, #tpu.memory_space<hbm>> -> memref<80xi32, #tpu.memory_space<hbm>>
        %dma_wait3A_26 = tpu.memref_slice %arg3[%add3A_24] : memref<320000xi32, #tpu.memory_space<hbm>> -> memref<80xi32, #tpu.memory_space<hbm>>
        tpu.wait_dma2 semaphore(%run_scoped3A : memref<!tpu.dma_semaphore, #tpu.memory_space<semaphore_mem>>) src(%dma_wait3A_26 : memref<80xi32, #tpu.memory_space<hbm>>) dst(%arg10 : memref<80xi32, #tpu.memory_space<vmem>>)
        tpu.yield
      }) : () -> ()
      "tpu.region"() ({
        %run_scoped3A = tpu.sem_alloc : memref<!tpu.dma_semaphore, #tpu.memory_space<semaphore_mem>>
        %dma_start3A = tpu.memref_slice %arg4[%add3A_24] : memref<320000xi32, #tpu.memory_space<hbm>> -> memref<80xi32, #tpu.memory_space<hbm>>
        %dma_start3A_25 = tpu.memref_slice %arg4[%add3A_24] : memref<320000xi32, #tpu.memory_space<hbm>> -> memref<80xi32, #tpu.memory_space<hbm>>
        tpu.enqueue_dma source(%dma_start3A_25 : memref<80xi32, #tpu.memory_space<hbm>>) target(%arg11 : memref<80xi32, #tpu.memory_space<vmem>>) target_semaphore(%run_scoped3A : memref<!tpu.dma_semaphore, #tpu.memory_space<semaphore_mem>>)
        %dma_wait3A = tpu.memref_slice %arg4[%add3A_24] : memref<320000xi32, #tpu.memory_space<hbm>> -> memref<80xi32, #tpu.memory_space<hbm>>
        %dma_wait3A_26 = tpu.memref_slice %arg4[%add3A_24] : memref<320000xi32, #tpu.memory_space<hbm>> -> memref<80xi32, #tpu.memory_space<hbm>>
        tpu.wait_dma2 semaphore(%run_scoped3A : memref<!tpu.dma_semaphore, #tpu.memory_space<semaphore_mem>>) src(%dma_wait3A_26 : memref<80xi32, #tpu.memory_space<hbm>>) dst(%arg11 : memref<80xi32, #tpu.memory_space<vmem>>)
        tpu.yield
      }) : () -> ()
      "tpu.region"() ({
        %run_scoped3A = tpu.sem_alloc : memref<!tpu.dma_semaphore, #tpu.memory_space<semaphore_mem>>
        %dma_start3A = arith.constant 0 : i32
        %dma_start3A_25 = arith.constant 0 : i32
        %dma_start3A_26 = tpu.memref_slice %arg2[%dma_start3A, %dma_start3A_25] : memref<10000x128xf32, #tpu.memory_space<hbm>> -> memref<10000x128xf32, #tpu.memory_space<hbm>>
        tpu.enqueue_indirect_dma source(%dma_start3A_26 : memref<10000x128xf32, #tpu.memory_space<hbm>>) target(%arg12 : memref<80x128xf32, #tpu.memory_space<vmem>>) offsets(%arg10 : memref<80xi32, #tpu.memory_space<vmem>>) semaphore(%run_scoped3A : memref<!tpu.dma_semaphore, #tpu.memory_space<semaphore_mem>>)
        %dma_wait3A = arith.constant 0 : i32
        %dma_wait3A_27 = arith.constant 0 : i32
        %dma_wait3A_28 = tpu.memref_slice %arg2[%dma_wait3A, %dma_wait3A_27] : memref<10000x128xf32, #tpu.memory_space<hbm>> -> memref<10000x128xf32, #tpu.memory_space<hbm>>
        tpu.wait_indirect_dma semaphore(%run_scoped3A : memref<!tpu.dma_semaphore, #tpu.memory_space<semaphore_mem>>) src(%dma_wait3A_28 : memref<10000x128xf32, #tpu.memory_space<hbm>>) dst(%arg12 : memref<80x128xf32, #tpu.memory_space<vmem>>)
        tpu.yield
      }) : () -> ()
      "tpu.region"() ({
        %run_scoped3A = tpu.sem_alloc : memref<!tpu.dma_semaphore, #tpu.memory_space<semaphore_mem>>
        %dma_start3A = arith.constant 0 : i32
        %dma_start3A_25 = arith.constant 0 : i32
        %dma_start3A_26 = tpu.memref_slice %arg15[%dma_start3A, %dma_start3A_25] : memref<10240x128xf32, #tpu.memory_space<vmem_shared>> -> memref<10240x128xf32, #tpu.memory_space<vmem_shared>>
        tpu.enqueue_indirect_dma source(%arg12 : memref<80x128xf32, #tpu.memory_space<vmem>>) target(%dma_start3A_26 : memref<10240x128xf32, #tpu.memory_space<vmem_shared>>) offsets(%arg11 : memref<80xi32, #tpu.memory_space<vmem>>) semaphore(%run_scoped3A : memref<!tpu.dma_semaphore, #tpu.memory_space<semaphore_mem>>) {add = true}
        %dma_wait3A = arith.constant 0 : i32
        %dma_wait3A_27 = arith.constant 0 : i32
        %dma_wait3A_28 = tpu.memref_slice %arg15[%dma_wait3A, %dma_wait3A_27] : memref<10240x128xf32, #tpu.memory_space<vmem_shared>> -> memref<10240x128xf32, #tpu.memory_space<vmem_shared>>
        tpu.wait_indirect_dma semaphore(%run_scoped3A : memref<!tpu.dma_semaphore, #tpu.memory_space<semaphore_mem>>) src(%arg12 : memref<80x128xf32, #tpu.memory_space<vmem>>) dst(%dma_wait3A_28 : memref<10240x128xf32, #tpu.memory_space<vmem_shared>>)
        tpu.yield
      }) : () -> ()
      "tpu.region"() ({
        %run_scoped3A = tpu.sem_alloc : memref<!tpu.dma_semaphore, #tpu.memory_space<semaphore_mem>>
        %dma_start3A = arith.constant 0 : i32
        %dma_start3A_25 = arith.constant 0 : i32
        %dma_start3A_26 = tpu.memref_slice %arg16[%dma_start3A, %dma_start3A_25] : memref<10240x16xf32, #tpu.memory_space<vmem_shared>> -> memref<10240x16xf32, #tpu.memory_space<vmem_shared>>
        tpu.enqueue_indirect_dma source(%arg13 : memref<80x16xf32, #tpu.memory_space<vmem>>) target(%dma_start3A_26 : memref<10240x16xf32, #tpu.memory_space<vmem_shared>>) offsets(%arg11 : memref<80xi32, #tpu.memory_space<vmem>>) semaphore(%run_scoped3A : memref<!tpu.dma_semaphore, #tpu.memory_space<semaphore_mem>>) {add = true}
        %dma_wait3A = arith.constant 0 : i32
        %dma_wait3A_27 = arith.constant 0 : i32
        %dma_wait3A_28 = tpu.memref_slice %arg16[%dma_wait3A, %dma_wait3A_27] : memref<10240x16xf32, #tpu.memory_space<vmem_shared>> -> memref<10240x16xf32, #tpu.memory_space<vmem_shared>>
        tpu.wait_indirect_dma semaphore(%run_scoped3A : memref<!tpu.dma_semaphore, #tpu.memory_space<semaphore_mem>>) src(%arg13 : memref<80x16xf32, #tpu.memory_space<vmem>>) dst(%dma_wait3A_28 : memref<10240x16xf32, #tpu.memory_space<vmem_shared>>)
        tpu.yield
      }) : () -> ()
    }
    %scan3A_13 = arith.constant 125 : i32
    %barrier3A_14 = arith.constant 0 : index
    tpu.barrier barrier_id(%barrier3A_14)
    %scan3A_15 = arith.constant 0 : i32
    %scan3A_16 = arith.constant 0 : i32
    %scan3A_17 = arith.constant 8 : i32
    %scan3A_18 = arith.addi %scan3A_16, %scan3A_17 : i32
    %scan3A_19 = arith.constant 1 : i32
    scf.for %scan3A_21 = %scan3A_16 to %scan3A_18 step %scan3A_19  : i32 {
      %mul3A_22 = arith.constant 640 : i32
      %mul3A_23 = arith.muli %arg1, %mul3A_22 : i32
      %mul3A_24 = arith.constant 80 : i32
      %mul3A_25 = arith.muli %scan3A_21, %mul3A_24 : i32
      %add3A_26 = arith.addi %mul3A_23, %mul3A_25 : i32
      "tpu.region"() ({
        %run_scoped3A = tpu.sem_alloc : memref<!tpu.dma_semaphore, #tpu.memory_space<semaphore_mem>>
        %dma_start3A = arith.constant 0 : i32
        %dma_start3A_27 = tpu.memref_slice %arg15[%add3A_26, %dma_start3A] : memref<10240x128xf32, #tpu.memory_space<vmem_shared>> -> memref<80x128xf32, #tpu.memory_space<vmem_shared>>
        %dma_start3A_28 = arith.constant 0 : i32
        %dma_start3A_29 = tpu.memref_slice %arg15[%add3A_26, %dma_start3A_28] : memref<10240x128xf32, #tpu.memory_space<vmem_shared>> -> memref<80x128xf32, #tpu.memory_space<vmem_shared>>
        tpu.enqueue_dma source(%dma_start3A_29 : memref<80x128xf32, #tpu.memory_space<vmem_shared>>) target(%arg12 : memref<80x128xf32, #tpu.memory_space<vmem>>) target_semaphore(%run_scoped3A : memref<!tpu.dma_semaphore, #tpu.memory_space<semaphore_mem>>)
        %dma_wait3A = arith.constant 0 : i32
        %dma_wait3A_30 = tpu.memref_slice %arg15[%add3A_26, %dma_wait3A] : memref<10240x128xf32, #tpu.memory_space<vmem_shared>> -> memref<80x128xf32, #tpu.memory_space<vmem_shared>>
        %dma_wait3A_31 = arith.constant 0 : i32
        %dma_wait3A_32 = tpu.memref_slice %arg15[%add3A_26, %dma_wait3A_31] : memref<10240x128xf32, #tpu.memory_space<vmem_shared>> -> memref<80x128xf32, #tpu.memory_space<vmem_shared>>
        tpu.wait_dma2 semaphore(%run_scoped3A : memref<!tpu.dma_semaphore, #tpu.memory_space<semaphore_mem>>) src(%dma_wait3A_32 : memref<80x128xf32, #tpu.memory_space<vmem_shared>>) dst(%arg12 : memref<80x128xf32, #tpu.memory_space<vmem>>)
        tpu.yield
      }) : () -> ()
      "tpu.region"() ({
        %run_scoped3A = tpu.sem_alloc : memref<!tpu.dma_semaphore, #tpu.memory_space<semaphore_mem>>
        %dma_start3A = arith.constant 0 : i32
        %dma_start3A_27 = tpu.memref_slice %arg8[%arg0, %add3A_26, %dma_start3A] : memref<2x10240x128xf32, #tpu.memory_space<hbm>> -> memref<1x80x128xf32, #tpu.memory_space<hbm>>
        %dma_start3A_28 = tpu.memref_squeeze %dma_start3A_27 : memref<1x80x128xf32, #tpu.memory_space<hbm>> -> memref<80x128xf32, #tpu.memory_space<hbm>>
        %dma_start3A_29 = arith.constant 0 : i32
        %dma_start3A_30 = tpu.memref_slice %arg8[%arg0, %add3A_26, %dma_start3A_29] : memref<2x10240x128xf32, #tpu.memory_space<hbm>> -> memref<1x80x128xf32, #tpu.memory_space<hbm>>
        %dma_start3A_31 = tpu.memref_squeeze %dma_start3A_30 : memref<1x80x128xf32, #tpu.memory_space<hbm>> -> memref<80x128xf32, #tpu.memory_space<hbm>>
        tpu.enqueue_dma source(%arg12 : memref<80x128xf32, #tpu.memory_space<vmem>>) target(%dma_start3A_31 : memref<80x128xf32, #tpu.memory_space<hbm>>) target_semaphore(%run_scoped3A : memref<!tpu.dma_semaphore, #tpu.memory_space<semaphore_mem>>)
        %dma_wait3A = arith.constant 0 : i32
        %dma_wait3A_32 = tpu.memref_slice %arg8[%arg0, %add3A_26, %dma_wait3A] : memref<2x10240x128xf32, #tpu.memory_space<hbm>> -> memref<1x80x128xf32, #tpu.memory_space<hbm>>
        %dma_wait3A_33 = tpu.memref_squeeze %dma_wait3A_32 : memref<1x80x128xf32, #tpu.memory_space<hbm>> -> memref<80x128xf32, #tpu.memory_space<hbm>>
        %dma_wait3A_34 = arith.constant 0 : i32
        %dma_wait3A_35 = tpu.memref_slice %arg8[%arg0, %add3A_26, %dma_wait3A_34] : memref<2x10240x128xf32, #tpu.memory_space<hbm>> -> memref<1x80x128xf32, #tpu.memory_space<hbm>>
        %dma_wait3A_36 = tpu.memref_squeeze %dma_wait3A_35 : memref<1x80x128xf32, #tpu.memory_space<hbm>> -> memref<80x128xf32, #tpu.memory_space<hbm>>
        tpu.wait_dma2 semaphore(%run_scoped3A : memref<!tpu.dma_semaphore, #tpu.memory_space<semaphore_mem>>) src(%arg12 : memref<80x128xf32, #tpu.memory_space<vmem>>) dst(%dma_wait3A_36 : memref<80x128xf32, #tpu.memory_space<hbm>>)
        tpu.yield
      }) : () -> ()
      "tpu.region"() ({
        %run_scoped3A = tpu.sem_alloc : memref<!tpu.dma_semaphore, #tpu.memory_space<semaphore_mem>>
        %dma_start3A = arith.constant 0 : i32
        %dma_start3A_27 = tpu.memref_slice %arg16[%add3A_26, %dma_start3A] : memref<10240x16xf32, #tpu.memory_space<vmem_shared>> -> memref<80x16xf32, #tpu.memory_space<vmem_shared>>
        %dma_start3A_28 = arith.constant 0 : i32
        %dma_start3A_29 = tpu.memref_slice %arg16[%add3A_26, %dma_start3A_28] : memref<10240x16xf32, #tpu.memory_space<vmem_shared>> -> memref<80x16xf32, #tpu.memory_space<vmem_shared>>
        tpu.enqueue_dma source(%dma_start3A_29 : memref<80x16xf32, #tpu.memory_space<vmem_shared>>) target(%arg14 : memref<80x16xf32, #tpu.memory_space<vmem>>) target_semaphore(%run_scoped3A : memref<!tpu.dma_semaphore, #tpu.memory_space<semaphore_mem>>)
        %dma_wait3A = arith.constant 0 : i32
        %dma_wait3A_30 = tpu.memref_slice %arg16[%add3A_26, %dma_wait3A] : memref<10240x16xf32, #tpu.memory_space<vmem_shared>> -> memref<80x16xf32, #tpu.memory_space<vmem_shared>>
        %dma_wait3A_31 = arith.constant 0 : i32
        %dma_wait3A_32 = tpu.memref_slice %arg16[%add3A_26, %dma_wait3A_31] : memref<10240x16xf32, #tpu.memory_space<vmem_shared>> -> memref<80x16xf32, #tpu.memory_space<vmem_shared>>
        tpu.wait_dma2 semaphore(%run_scoped3A : memref<!tpu.dma_semaphore, #tpu.memory_space<semaphore_mem>>) src(%dma_wait3A_32 : memref<80x16xf32, #tpu.memory_space<vmem_shared>>) dst(%arg14 : memref<80x16xf32, #tpu.memory_space<vmem>>)
        tpu.yield
      }) : () -> ()
      "tpu.region"() ({
        %run_scoped3A = tpu.sem_alloc : memref<!tpu.dma_semaphore, #tpu.memory_space<semaphore_mem>>
        %dma_start3A = arith.constant 0 : i32
        %dma_start3A_27 = tpu.memref_slice %arg9[%arg0, %add3A_26, %dma_start3A] : memref<2x10240x16xf32, #tpu.memory_space<hbm>> -> memref<1x80x16xf32, #tpu.memory_space<hbm>>
        %dma_start3A_28 = tpu.memref_squeeze %dma_start3A_27 : memref<1x80x16xf32, #tpu.memory_space<hbm>> -> memref<80x16xf32, #tpu.memory_space<hbm>>
        %dma_start3A_29 = arith.constant 0 : i32
        %dma_start3A_30 = tpu.memref_slice %arg9[%arg0, %add3A_26, %dma_start3A_29] : memref<2x10240x16xf32, #tpu.memory_space<hbm>> -> memref<1x80x16xf32, #tpu.memory_space<hbm>>
        %dma_start3A_31 = tpu.memref_squeeze %dma_start3A_30 : memref<1x80x16xf32, #tpu.memory_space<hbm>> -> memref<80x16xf32, #tpu.memory_space<hbm>>
        tpu.enqueue_dma source(%arg14 : memref<80x16xf32, #tpu.memory_space<vmem>>) target(%dma_start3A_31 : memref<80x16xf32, #tpu.memory_space<hbm>>) target_semaphore(%run_scoped3A : memref<!tpu.dma_semaphore, #tpu.memory_space<semaphore_mem>>)
        %dma_wait3A = arith.constant 0 : i32
        %dma_wait3A_32 = tpu.memref_slice %arg9[%arg0, %add3A_26, %dma_wait3A] : memref<2x10240x16xf32, #tpu.memory_space<hbm>> -> memref<1x80x16xf32, #tpu.memory_space<hbm>>
        %dma_wait3A_33 = tpu.memref_squeeze %dma_wait3A_32 : memref<1x80x16xf32, #tpu.memory_space<hbm>> -> memref<80x16xf32, #tpu.memory_space<hbm>>
        %dma_wait3A_34 = arith.constant 0 : i32
        %dma_wait3A_35 = tpu.memref_slice %arg9[%arg0, %add3A_26, %dma_wait3A_34] : memref<2x10240x16xf32, #tpu.memory_space<hbm>> -> memref<1x80x16xf32, #tpu.memory_space<hbm>>
        %dma_wait3A_36 = tpu.memref_squeeze %dma_wait3A_35 : memref<1x80x16xf32, #tpu.memory_space<hbm>> -> memref<80x16xf32, #tpu.memory_space<hbm>>
        tpu.wait_dma2 semaphore(%run_scoped3A : memref<!tpu.dma_semaphore, #tpu.memory_space<semaphore_mem>>) src(%arg14 : memref<80x16xf32, #tpu.memory_space<vmem>>) dst(%dma_wait3A_36 : memref<80x16xf32, #tpu.memory_space<hbm>>)
        tpu.yield
      }) : () -> ()
    }
    %scan3A_20 = arith.constant 8 : i32
    return
  }
}

module attributes {stable_mosaic.version = 14 : i64} {
  func.func @_t1_body(%arg0: memref<2x10240x128xf32, #tpu.memory_space<vmem>>, %arg1: memref<2x10240x16xf32, #tpu.memory_space<vmem>>, %arg2: memref<10000x128xf32, #tpu.memory_space<vmem>>, %arg3: memref<128x128xf32, #tpu.memory_space<vmem>>, %arg4: memref<1x128xf32, #tpu.memory_space<vmem>>, %arg5: memref<128x128xf32, #tpu.memory_space<vmem>>, %arg6: memref<256x64xf32, #tpu.memory_space<vmem>>, %arg7: memref<10000x64xf32, #tpu.memory_space<vmem>>, %arg8: memref<10000x64xf32, #tpu.memory_space<vmem>>) attributes {dimension_semantics = [], scalar_prefetch = 0 : i64, scratch_operands = 0 : i64, tpu.core_type = #tpu.core_type<tc>} {
    %get3A = arith.constant 0 : index
    %get3A_0 = arith.constant 0 : index
    %get3A_1 = arith.constant 0 : index
    %get3A_2 = vector.load %arg0[%get3A, %get3A_0, %get3A_1] : memref<2x10240x128xf32, #tpu.memory_space<vmem>>, vector<1x10000x128xf32>
    %get3A_3 = vector.shape_cast %get3A_2 : vector<1x10000x128xf32> to vector<10000x128xf32>
    %get3A_4 = arith.constant 1 : index
    %get3A_5 = arith.constant 0 : index
    %get3A_6 = arith.constant 0 : index
    %get3A_7 = vector.load %arg0[%get3A_4, %get3A_5, %get3A_6] : memref<2x10240x128xf32, #tpu.memory_space<vmem>>, vector<1x10000x128xf32>
    %get3A_8 = vector.shape_cast %get3A_7 : vector<1x10000x128xf32> to vector<10000x128xf32>
    %add3A = arith.addf %get3A_3, %get3A_8 : vector<10000x128xf32>
    %get3A_9 = arith.constant 0 : index
    %get3A_10 = arith.constant 0 : index
    %get3A_11 = arith.constant 0 : index
    %get3A_12 = vector.load %arg1[%get3A_9, %get3A_10, %get3A_11] : memref<2x10240x16xf32, #tpu.memory_space<vmem>>, vector<1x10000x1xf32>
    %get3A_13 = vector.shape_cast %get3A_12 : vector<1x10000x1xf32> to vector<10000x1xf32>
    %get3A_14 = arith.constant 1 : index
    %get3A_15 = arith.constant 0 : index
    %get3A_16 = arith.constant 0 : index
    %get3A_17 = vector.load %arg1[%get3A_14, %get3A_15, %get3A_16] : memref<2x10240x16xf32, #tpu.memory_space<vmem>>, vector<1x10000x1xf32>
    %get3A_18 = vector.shape_cast %get3A_17 : vector<1x10000x1xf32> to vector<10000x1xf32>
    %add3A_19 = arith.addf %get3A_13, %get3A_18 : vector<10000x1xf32>
    %max3A = arith.constant 1.000000e+00 : f32
    %max3A_20 = vector.broadcast %max3A : f32 to vector<10000x1xf32>
    %max3A_21 = arith.maximumf %add3A_19, %max3A_20 : vector<10000x1xf32>
    %div3A = vector.broadcast %max3A_21 : vector<10000x1xf32> to vector<10000x128xf32>
    %div3A_22 = arith.divf %add3A, %div3A : vector<10000x128xf32>
    %get3A_23 = arith.constant 0 : index
    %get3A_24 = arith.constant 0 : index
    %get3A_25 = vector.load %arg3[%get3A_23, %get3A_24] : memref<128x128xf32, #tpu.memory_space<vmem>>, vector<128x128xf32>
    %dot_general3A = arith.constant dense<0.000000e+00> : vector<10000x128xf32>
    %dot_general3A_26 = tpu.matmul %div3A_22, %get3A_25, %dot_general3A {dimension_numbers = #tpu.dot_dimension_numbers<[1], [0], [0], [1], [0, 0, 1, 1], [], []>, transpose_lhs_hint = false} : vector<10000x128xf32>, vector<128x128xf32>, vector<10000x128xf32> -> vector<10000x128xf32>
    %get3A_27 = arith.constant 0 : index
    %get3A_28 = arith.constant 0 : index
    %get3A_29 = vector.load %arg2[%get3A_27, %get3A_28] : memref<10000x128xf32, #tpu.memory_space<vmem>>, vector<10000x128xf32>
    %get3A_30 = arith.constant 0 : index
    %get3A_31 = arith.constant 0 : index
    %get3A_32 = vector.load %arg5[%get3A_30, %get3A_31] : memref<128x128xf32, #tpu.memory_space<vmem>>, vector<128x128xf32>
    %dot_general3A_33 = arith.constant dense<0.000000e+00> : vector<10000x128xf32>
    %dot_general3A_34 = tpu.matmul %get3A_29, %get3A_32, %dot_general3A_33 {dimension_numbers = #tpu.dot_dimension_numbers<[1], [0], [0], [1], [0, 0, 1, 1], [], []>, transpose_lhs_hint = false} : vector<10000x128xf32>, vector<128x128xf32>, vector<10000x128xf32> -> vector<10000x128xf32>
    %add3A_35 = arith.addf %dot_general3A_26, %dot_general3A_34 : vector<10000x128xf32>
    %get3A_36 = arith.constant 0 : index
    %get3A_37 = arith.constant 0 : index
    %get3A_38 = vector.load %arg4[%get3A_36, %get3A_37] : memref<1x128xf32, #tpu.memory_space<vmem>>, vector<1x128xf32>
    %add3A_39 = vector.broadcast %get3A_38 : vector<1x128xf32> to vector<10000x128xf32>
    %add3A_40 = arith.addf %add3A_35, %add3A_39 : vector<10000x128xf32>
    %reduce_sum3A = arith.constant dense<0.000000e+00> : vector<128xf32>
    %reduce_sum3A_41 = vector.multi_reduction <add>, %add3A_40, %reduce_sum3A [0] : vector<10000x128xf32> to vector<128xf32>
    %broadcast_in_dim3A = vector.shape_cast %reduce_sum3A_41 : vector<128xf32> to vector<1x128xf32>
    %div3A_42 = arith.constant 1.000000e+04 : f32
    %div3A_43 = vector.broadcast %div3A_42 : f32 to vector<1x128xf32>
    %div3A_44 = arith.divf %broadcast_in_dim3A, %div3A_43 : vector<1x128xf32>
    %sub3A = vector.broadcast %div3A_44 : vector<1x128xf32> to vector<10000x128xf32>
    %sub3A_45 = arith.subf %add3A_40, %sub3A : vector<10000x128xf32>
    %mul3A = arith.mulf %sub3A_45, %sub3A_45 : vector<10000x128xf32>
    %reduce_sum3A_46 = vector.shape_cast %mul3A : vector<10000x128xf32> to vector<1x10000x128xf32>
    %reduce_sum3A_47 = arith.constant dense<0.000000e+00> : vector<1xf32>
    %reduce_sum3A_48 = vector.multi_reduction <add>, %reduce_sum3A_46, %reduce_sum3A_47 [1, 2] : vector<1x10000x128xf32> to vector<1xf32>
    %reduce_sum3A_49 = vector.shape_cast %reduce_sum3A_48 : vector<1xf32> to vector<1x1x1xf32>
    %reduce_sum3A_50 = vector.extract %reduce_sum3A_49[0, 0, 0] : f32 from vector<1x1x1xf32>
    %div3A_51 = arith.constant 1.000000e+04 : f32
    %div3A_52 = arith.divf %reduce_sum3A_50, %div3A_51 : f32
    %add3A_53 = arith.constant 9.99999974E-6 : f32
    %add3A_54 = arith.addf %add3A_53, %div3A_52 : f32
    %sqrt3A = math.sqrt %add3A_54 : f32
    %div3A_55 = vector.broadcast %sqrt3A : f32 to vector<10000x128xf32>
    %div3A_56 = arith.divf %sub3A_45, %div3A_55 : vector<10000x128xf32>
    %ge3A = arith.constant 0.000000e+00 : f32
    %ge3A_57 = vector.broadcast %ge3A : f32 to vector<10000x128xf32>
    %ge3A_58 = arith.cmpf oge, %div3A_56, %ge3A_57 : vector<10000x128xf32>
    %mul3A_59 = arith.constant 1.000000e-01 : f32
    %mul3A_60 = vector.broadcast %mul3A_59 : f32 to vector<10000x128xf32>
    %mul3A_61 = arith.mulf %mul3A_60, %div3A_56 : vector<10000x128xf32>
    %select_n3A = arith.select %ge3A_58, %div3A_56, %mul3A_61 : vector<10000x128xi1>, vector<10000x128xf32>
    %get3A_62 = arith.constant 0 : index
    %get3A_63 = arith.constant 0 : index
    %get3A_64 = vector.load %arg6[%get3A_62, %get3A_63] : memref<256x64xf32, #tpu.memory_space<vmem>>, vector<128x64xf32>
    %dot_general3A_65 = arith.constant dense<0.000000e+00> : vector<10000x64xf32>
    %dot_general3A_66 = tpu.matmul %select_n3A, %get3A_64, %dot_general3A_65 {dimension_numbers = #tpu.dot_dimension_numbers<[1], [0], [0], [1], [0, 0, 1, 1], [], []>, transpose_lhs_hint = false} : vector<10000x128xf32>, vector<128x64xf32>, vector<10000x64xf32> -> vector<10000x64xf32>
    %swap3A = arith.constant 0 : index
    %swap3A_67 = arith.constant 0 : index
    %swap3A_68 = vector.load %arg7[%swap3A, %swap3A_67] : memref<10000x64xf32, #tpu.memory_space<vmem>>, vector<10000x64xf32>
    tpu.vector_store %arg7[%swap3A, %swap3A_67], %dot_general3A_66 {strides = array<i32>} : memref<10000x64xf32, #tpu.memory_space<vmem>>, vector<10000x64xf32>,
    %get3A_69 = arith.constant 128 : index
    %get3A_70 = arith.constant 0 : index
    %get3A_71 = vector.load %arg6[%get3A_69, %get3A_70] : memref<256x64xf32, #tpu.memory_space<vmem>>, vector<128x64xf32>
    %dot_general3A_72 = arith.constant dense<0.000000e+00> : vector<10000x64xf32>
    %dot_general3A_73 = tpu.matmul %select_n3A, %get3A_71, %dot_general3A_72 {dimension_numbers = #tpu.dot_dimension_numbers<[1], [0], [0], [1], [0, 0, 1, 1], [], []>, transpose_lhs_hint = false} : vector<10000x128xf32>, vector<128x64xf32>, vector<10000x64xf32> -> vector<10000x64xf32>
    %swap3A_74 = arith.constant 0 : index
    %swap3A_75 = arith.constant 0 : index
    %swap3A_76 = vector.load %arg8[%swap3A_74, %swap3A_75] : memref<10000x64xf32, #tpu.memory_space<vmem>>, vector<10000x64xf32>
    tpu.vector_store %arg8[%swap3A_74, %swap3A_75], %dot_general3A_73 {strides = array<i32>} : memref<10000x64xf32, #tpu.memory_space<vmem>>, vector<10000x64xf32>,
    return
  }
}

module attributes {stable_mosaic.version = 14 : i64} {
  func.func @_t2_body(%arg0: i32, %arg1: memref<8000x64xf32, #tpu.memory_space<vmem>>, %arg2: memref<8000x64xf32, #tpu.memory_space<vmem>>, %arg3: memref<1x64xf32, #tpu.memory_space<vmem>>, %arg4: memref<64x16xf32, #tpu.memory_space<vmem>>, %arg5: memref<1x16xf32, #tpu.memory_space<vmem>>, %arg6: memref<8000x16xf32, #tpu.memory_space<vmem>>) attributes {dimension_semantics = [#tpu.dimension_semantics<arbitrary>], iteration_bounds = array<i64: 40>, scalar_prefetch = 0 : i64, scratch_operands = 0 : i64, tpu.core_type = #tpu.core_type<tc>, window_params = [{transform_indices = @transform_0, window_bounds = array<i64: 8000, 64>}, {transform_indices = @transform_1, window_bounds = array<i64: 8000, 64>}, {pipeline_mode = #tpu.pipeline_mode<synchronous>, transform_indices = @transform_2, window_bounds = array<i64: 1, 64>}, {pipeline_mode = #tpu.pipeline_mode<synchronous>, transform_indices = @transform_3, window_bounds = array<i64: 64, 16>}, {pipeline_mode = #tpu.pipeline_mode<synchronous>, transform_indices = @transform_4, window_bounds = array<i64: 1, 16>}, {transform_indices = @transform_5, window_bounds = array<i64: 8000, 16>}]} {
    %get3A = arith.constant 0 : index
    %get3A_0 = arith.constant 0 : index
    %get3A_1 = vector.load %arg1[%get3A, %get3A_0] : memref<8000x64xf32, #tpu.memory_space<vmem>>, vector<8000x64xf32>
    %get3A_2 = arith.constant 0 : index
    %get3A_3 = arith.constant 0 : index
    %get3A_4 = vector.load %arg2[%get3A_2, %get3A_3] : memref<8000x64xf32, #tpu.memory_space<vmem>>, vector<8000x64xf32>
    %add3A = arith.addf %get3A_1, %get3A_4 : vector<8000x64xf32>
    %get3A_5 = arith.constant 0 : index
    %get3A_6 = arith.constant 0 : index
    %get3A_7 = vector.load %arg3[%get3A_5, %get3A_6] : memref<1x64xf32, #tpu.memory_space<vmem>>, vector<1x64xf32>
    %add3A_8 = vector.broadcast %get3A_7 : vector<1x64xf32> to vector<8000x64xf32>
    %add3A_9 = arith.addf %add3A, %add3A_8 : vector<8000x64xf32>
    %ge3A = arith.constant 0.000000e+00 : f32
    %ge3A_10 = vector.broadcast %ge3A : f32 to vector<8000x64xf32>
    %ge3A_11 = arith.cmpf oge, %add3A_9, %ge3A_10 : vector<8000x64xf32>
    %mul3A = arith.constant 1.000000e-01 : f32
    %mul3A_12 = vector.broadcast %mul3A : f32 to vector<8000x64xf32>
    %mul3A_13 = arith.mulf %mul3A_12, %add3A_9 : vector<8000x64xf32>
    %select_n3A = arith.select %ge3A_11, %add3A_9, %mul3A_13 : vector<8000x64xi1>, vector<8000x64xf32>
    %get3A_14 = arith.constant 0 : index
    %get3A_15 = arith.constant 0 : index
    %get3A_16 = vector.load %arg4[%get3A_14, %get3A_15] : memref<64x16xf32, #tpu.memory_space<vmem>>, vector<64x16xf32>
    %dot_general3A = arith.constant dense<0.000000e+00> : vector<8000x16xf32>
    %dot_general3A_17 = tpu.matmul %select_n3A, %get3A_16, %dot_general3A {dimension_numbers = #tpu.dot_dimension_numbers<[1], [0], [0], [1], [0, 0, 1, 1], [], []>, transpose_lhs_hint = false} : vector<8000x64xf32>, vector<64x16xf32>, vector<8000x16xf32> -> vector<8000x16xf32>
    %get3A_18 = arith.constant 0 : index
    %get3A_19 = arith.constant 0 : index
    %get3A_20 = vector.load %arg5[%get3A_18, %get3A_19] : memref<1x16xf32, #tpu.memory_space<vmem>>, vector<1x16xf32>
    %add3A_21 = vector.broadcast %get3A_20 : vector<1x16xf32> to vector<8000x16xf32>
    %add3A_22 = arith.addf %dot_general3A_17, %add3A_21 : vector<8000x16xf32>
    %swap3A = arith.constant 0 : index
    %swap3A_23 = arith.constant 0 : index
    %swap3A_24 = vector.load %arg6[%swap3A, %swap3A_23] : memref<8000x16xf32, #tpu.memory_space<vmem>>, vector<8000x16xf32>
    tpu.vector_store %arg6[%swap3A, %swap3A_23], %add3A_22 {strides = array<i32>} : memref<8000x16xf32, #tpu.memory_space<vmem>>, vector<8000x16xf32>,
    return
  }
  func.func @transform_0(%arg0: i32) -> (i32, i32) {
    %c0_i32 = arith.constant 0 : i32
    %c0_i32_0 = arith.constant 0 : i32
    return %arg0, %c0_i32 : i32, i32
  }
  func.func @transform_1(%arg0: i32) -> (i32, i32) {
    %c0_i32 = arith.constant 0 : i32
    %c0_i32_0 = arith.constant 0 : i32
    return %arg0, %c0_i32 : i32, i32
  }
  func.func @transform_2(%arg0: i32) -> (i32, i32) {
    %c0_i32 = arith.constant 0 : i32
    %c0_i32_0 = arith.constant 0 : i32
    %c0_i32_1 = arith.constant 0 : i32
    return %c0_i32, %c0_i32_0 : i32, i32
  }
  func.func @transform_3(%arg0: i32) -> (i32, i32) {
    %c0_i32 = arith.constant 0 : i32
    %c0_i32_0 = arith.constant 0 : i32
    %c0_i32_1 = arith.constant 0 : i32
    return %c0_i32, %c0_i32_0 : i32, i32
  }
  func.func @transform_4(%arg0: i32) -> (i32, i32) {
    %c0_i32 = arith.constant 0 : i32
    %c0_i32_0 = arith.constant 0 : i32
    %c0_i32_1 = arith.constant 0 : i32
    return %c0_i32, %c0_i32_0 : i32, i32
  }
  func.func @transform_5(%arg0: i32) -> (i32, i32) {
    %c0_i32 = arith.constant 0 : i32
    %c0_i32_0 = arith.constant 0 : i32
    return %arg0, %c0_i32 : i32, i32
  }
}

</mosaic_0001>

<sc_bundles>
// kernel: kernel.6.cloned.1.call-start
scs
__scs_entry_jumppad:
0x0: {  	(pc) =	sbr.rel $0x88, $3  }
0x1: {  	(tag) =	ssettag $0x0;
	lr =	simm.s32 $0x1  }
0x2: {  	[smem:$0x3F98] =	sst lr;
	_ =	strace $0xD0000000  }
0x3: {  	_ = 	snop  }
0x4: {  	_ = 	snop  }
0x5: {  	_ = 	snop  }
0x6: {  	_ = 	snop  }
0x7: {  	_ = 	snop  }
__scs_overlays_trampoline_lowered:
0x8: {  	[smem:$0x3FA7] =	sst s0  }
0x9: {  	[smem:$0x3FA8] =	sst s1  }
0xa: {  	[smem:$0x3FA9] =	sst s2  }
0xb: {  	[smem:$0x3FAA] =	sst s3  }
0xc: {  	[smem:$0x3FAB] =	sst s4  }
0xd: {  	[smem:$0x3FAC] =	sst s5  }
0xe: {  	[smem:$0x3FAD] =	sst s6  }
0xf: {  	[smem:$0x3FAE] =	sst s7  }
0x10: {  	[smem:$0x3FAF] =	sst s8  }
0x11: {  	[smem:$0x3FB0] =	sst s9;
	s0 =	simm.s32 @!p0 $0x0  }
0x12: {  	s1 =	sld [smem:$0x3F96];
	s0 =	simm.s32 @p0 $0x1  }
0x13: {  	[smem:$0x3FB1] =	sst s0;
	s0 =	simm.s32 @!p1 $0x0  }
0x14: {  	s2 =	sld [smem:$0x3F95];
	s0 =	simm.s32 @p1 $0x1  }
0x15: {  	[smem:$0x3FB2] =	sst s0;
	s0 =	simm.s32 @!p2 $0x0  }
0x16: {  	s3 =	sld [smem:$0x3FDB];
	s0 =	simm.s32 @p2 $0x1  }
0x17: {  	s4 =	simm.s32 $0x1BF5;
	[smem:$0x3FB4] =	sst s0  }
0x18: {  	s0 =	sld [smem:$0x3F97];
	_ =	swait.ge [sflag:s4], $0x0  }
0x19: {  	s7 =	sld [smem:$0x3F98]  }
0x1a: {  	s8 =	sadd.s32 $0xFFFFE003, lr  }
0x1b: {  	s9 =	sadd.s32 $0xFFFFFEF7, lr;
	s5 =	simm.s32 $0xFFFFFFFF;
	p2 =	slt.u32 s8, $0xFFFFF086  }
0x1c: {  	p1 =	slt.u32 s9, $0xF7A;
	s5 =	simm.s32 @!p2 $0x0  }
0x1d: {  	s5 =	simm.s32 @p1 $0x1;
	p0 =	seq.s32 s7, s2  }
0x1e: {  	s7 =	smul.u32 @!p0 $0xF7A, s2;
	p2 =	seq.s32 @!p0 s5, $0x0  }
0x1f: {  	s9 =	smul.u32 $0xF7A, s1;
	s8 =	simm.s32 @!p0 $0x1BF5;
	p2 =	por !p2, p0  }
0x20: {  	[sflag:s8] =	ssyncset.s32 @!p0 $0xFFFFF086;
	s6 =	sadd.s32 @!p0 s3, s7;
	s7 =	simm.s32 @!p0 $0x108  }
0x21: {  	s3 =	sadd.s32 s3, s9;
	s6 =	sadd.s32 @!p0 $0x88, s6;
	s7 =	simm.s32 @p2 $0x1082  }
0x22: {  	[simem:s7], [sflag:s8] =	dma.local @!p0 [hbm:s6], $0xF7A  }
0x23: {  	s9 =	sor.u32 $0xD0000000, s2;
	s6 =	simm.s32 $0x108;
	_ =	swait.ge @!p0 [sflag:s8], $0x0  }
0x24: {  	s3 =	sadd.s32 $0x88, s3;
	s6 =	simm.s32 @!p1 $0x1082;
	[sflag:s4] =	ssyncset.s32 $0xFFFFF086  }
0x25: {  	[simem:s6], [sflag:s4] =	dma.local [hbm:s3], $0xF7A  }
0x26: {  	[smem:$0x3F98] =	sst s1;
	(tag) =	ssettag s2;
	_ =	strace s9  }
0x27: {  	s1 =	sld [smem:$0x3FA8]  }
0x28: {  	s2 =	sld [smem:$0x3FA9]  }
0x29: {  	s4 =	sld [smem:$0x3FAB]  }
0x2a: {  	p0 =	seq.s32 s5, $0x0;
	s5 =	sld [smem:$0x3FAC]  }
0x2b: {  	s6 =	sld [smem:$0x3FAD]  }
0x2c: {  	s7 =	sld [smem:$0x3FAE]  }
0x2d: {  	s3 =	simm.s32 $0x108;
	s8 =	sld [smem:$0x3FAF]  }
0x2e: {  	s3 =	simm.s32 @!p0 $0x1082;
	s9 =	sld [smem:$0x3FB0]  }
0x2f: {  	lr =	sadd.s32 s0, s3;
	s0 =	sld [smem:$0x3FA7]  }
0x30: {  	s3 =	sld [smem:$0x3FAA]  }
0x31: {  	[smem:$0x3FB3] =	sst s10  }
0x32: {  	s10 =	sld [smem:$0x3FB1];
	_ =	sdelay $0x3  }
0x33: {  	p0 =	seq.s32 s10, $0x1;
	s10 =	sld [smem:$0x3FB3];
	_ =	sdelay $0x3  }
0x34: {  	[smem:$0x3FB3] =	sst s10  }
0x35: {  	s10 =	sld [smem:$0x3FB2];
	_ =	sdelay $0x3  }
0x36: {  	p1 =	seq.s32 s10, $0x1;
	s10 =	sld [smem:$0x3FB3];
	_ =	sdelay $0x3  }
0x37: {  	[smem:$0x3FB3] =	sst s10  }
0x38: {  	s10 =	sld [smem:$0x3FB4]  }
0x39: {  	_ = 	snop;
	(pc) =	sbr.ind lr, $3  }
0x3a: {  	_ = 	snop  }
0x3b: {  	_ = 	snop  }
0x3c: {  	p2 =	seq.s32 s10, $0x1;
	s10 =	sld [smem:$0x3FB3]  }
0x3d: {  	_ =	shalt  }
0x3e: {  	_ =	shalt  }
0x3f: {  	_ =	shalt  }
0x40: {  	_ =	shalt  }
0x41: {  	_ =	shalt  }
0x42: {  	_ =	shalt  }
0x43: {  	_ =	shalt  }
0x44: {  	_ =	shalt  }
0x45: {  	_ =	shalt  }
0x46: {  	_ =	shalt  }
0x47: {  	_ =	shalt  }
0x48: {  	_ =	shalt  }
0x49: {  	_ =	shalt  }
0x4a: {  	_ =	shalt  }
0x4b: {  	_ =	shalt  }
0x4c: {  	_ =	shalt  }
0x4d: {  	_ =	shalt  }
0x4e: {  	_ =	shalt  }
0x4f: {  	_ =	shalt  }
0x50: {  	_ =	shalt  }
0x51: {  	_ =	shalt  }
0x52: {  	_ =	shalt  }
0x53: {  	_ =	shalt  }
0x54: {  	_ =	shalt  }
0x55: {  	_ =	shalt  }
0x56: {  	_ =	shalt  }
0x57: {  	_ =	shalt  }
0x58: {  	_ =	shalt  }
0x59: {  	_ =	shalt  }
0x5a: {  	_ =	shalt  }
0x5b: {  	_ =	shalt  }
0x5c: {  	_ =	shalt  }
0x5d: {  	_ =	shalt  }
0x5e: {  	_ =	shalt  }
0x5f: {  	_ =	shalt  }
0x60: {  	_ =	shalt  }
0x61: {  	_ =	shalt  }
0x62: {  	_ =	shalt  }
0x63: {  	_ =	shalt  }
0x64: {  	_ =	shalt  }
0x65: {  	_ =	shalt  }
0x66: {  	_ =	shalt  }
0x67: {  	_ =	shalt  }
0x68: {  	_ =	shalt  }
0x69: {  	_ =	shalt  }
0x6a: {  	_ =	shalt  }
0x6b: {  	_ =	shalt  }
0x6c: {  	_ =	shalt  }
0x6d: {  	_ =	shalt  }
0x6e: {  	_ =	shalt  }
0x6f: {  	_ =	shalt  }
0x70: {  	_ =	shalt  }
0x71: {  	_ =	shalt  }
0x72: {  	_ =	shalt  }
0x73: {  	_ =	shalt  }
0x74: {  	_ =	shalt  }
0x75: {  	_ =	shalt  }
0x76: {  	_ =	shalt  }
0x77: {  	_ =	shalt  }
0x78: {  	_ =	shalt  }
0x79: {  	_ =	shalt  }
0x7a: {  	_ =	shalt  }
0x7b: {  	_ =	shalt  }
0x7c: {  	_ =	shalt  }
0x7d: {  	_ =	shalt  }
0x7e: {  	_ =	shalt  }
0x7f: {  	_ =	shalt  }
0x80: {  	_ =	shalt  }
0x81: {  	_ =	shalt  }
0x82: {  	_ =	shalt  }
0x83: {  	_ =	shalt  }
0x84: {  	_ =	shalt  }
0x85: {  	_ =	shalt  }
0x86: {  	_ =	shalt  }
0x87: {  	_ =	shalt  }
.Lfunc_end0:
.L_simem_size_0:
called_computation_lowered:
.L_overlay_start_0:
0x88: {  	s2 =	sld [smem:$0x3FD9]  }
0x89: {  	s3 =	sld [smem:$0x3FFE];
	_ =	sdelay $0x1  }
0x8a: {  	s1 =	srdreg.scid  }
0x8b: {  	s0 =	sand.u32 $0x1, s1  }
0x8c: {  	s17 =	sshll.u32 s0, $0xA;
	s2 =	sadd.s32 s3, s2  }
0x8d: {  	s2 =	sadd.s32 s2, s17  }
0x8e: {  	[smem:$0x3FBF] =	sst s2  }
0x8f: {  	_ = 	snop  }
0x90: {  	s2 =	sld [smem:$0x3FC9]  }
0x91: {  	s18 =	sld [smem:$0x3FD0];
	(tm) =	ssettm $0x1  }
0x92: {  	s4 =	sld [smem:$0x3FFB];
	_ =	sdelay $0x3  }
0x93: {  	_ =	strace s4  }
0x94: {  	s4 =	sld [smem:$0x3FFC];
	_ =	sdelay $0x3  }
0x95: {  	_ =	strace s4  }
0x96: {  	s4 =	sld [smem:$0x3FFD];
	_ =	sdelay $0x3  }
0x97: {  	_ =	strace s4  }
0x98: {  	_ =	strace $0x8FFFFFFF  }
0x99: {  	s19 =	sld [smem:$0x3FDB];
	_ =	sdelay $0x1  }
0x9a: {  	s5 =	simm.s32 $_scs_section_size  }
0x9b: {  	s6 =	simm.s32 $_size__tile_overlayer_lowered;
	s7 =	simm.s32 $_tile_overlayer_lowered  }
0x9c: {  	s22 =	simm.s32 $0x1BFF;
	s21 =	sshll.u32 s7, $0x1;
	s4 =	sadd.s32 s5, s19  }
0x9d: {  	s8 =	simm.s32 $0x0;
	s20 =	sshll.u32 s6, $0x1;
	s6 =	sadd.s32 s21, s4  }
0x9e: {  	[timem:s8], [sflag:s22] =	dma.local [hbm:s6], s20  }
0x9f: {  	_ =	swait.ge [sflag:s22], s20  }
0xa0: {  	s5 =	ssub.s32 $0x0, s20;
	[sflag:s22] =	ssyncset.done $0x0  }
0xa1: {  	[sflag:s22] =	ssyncadd.s32 s5;
	_ =	sdelay $0x1  }
0xa2: {  	s23 =	simm.s32 $0x1B8B  }
0xa3: {  	_ =	swait.ge [sflag:s23], $0x1  }
0xa4: {  	[sflag:s23] =	ssyncset.done $0x0  }
0xa5: {  	s25 =	simm.s32 $0x1B8E;
	s24 =	sld [smem:$0x3FFE];
	[sflag:s23] =	ssyncadd.s32 $0xFFFFFFFF  }
0xa6: {  	s26 =	simm.s32 $execute0_lowered;
	[smem:$0x3FD2] =	sst s25  }
0xa7: {  	s6 =	sshll.u32 s26, $0x1;
	_ =	strace $0x80000046;
	[dreg:$0x1] =	wrdreg $0xFFFFFFFF  }
0xa8: {  	s28 =	simm.s32 $_size_execute0_lowered;
	s4 =	sadd.s32 s4, s6;
	[dreg:$0x0] =	wrdreg $0x0  }
0xa9: {  	s6 =	sshll.u32 s28, $0x1;
	[dreg:$0x2] =	wrdreg s4  }
0xaa: {  	[dreg:$0x3] =	wrdreg s6  }
0xab: {  	[dreg:$0x4] =	wrdreg $0xC0  }
0xac: {  	_ =	task [dreg:s8], $0x5FFFF  }
0xad: {  	[dreg:$0x1] =	wrdreg $0xFFFFFFFF  }
0xae: {  	[dreg:$0x0] =	wrdreg $0x60  }
0xaf: {  	[dreg:$0x2] =	wrdreg s2  }
0xb0: {  	[dreg:$0x3] =	wrdreg s24  }
0xb1: {  	[dreg:$0x4] =	wrdreg s18  }
0xb2: {  	[dreg:$0x5] =	wrdreg $0x32A00  }
0xb3: {  	[dreg:$0x6] =	wrdreg $0x172A00  }
0xb4: {  	[dreg:$0x7] =	wrdreg $0x9  }
0xb5: {  	_ =	task.clear_ibuf [dreg:s8], $0x8FFFF;
	_ =	strace $0x90000046  }
0xb6: {  	s29 =	simm.s32 $0x9;
	_ =	strace $0x80000048  }
0xb7: {  	_ =	swait.ge [sflag:s29], $0x1  }
0xb8: {  	[sflag:s29] =	ssyncadd.s32 $0xFFFFFFFF  }
0xb9: {  	_ =	strace $0x90000048  }
0xba: {  	_ =	sfence  }
0xbb: {  	s30 =	sld [smem:$0x0];
	_ =	sdelay $0x2  }
0xbc: {  	s31 =	sshll.u32 s1, $0xD;
	s1 =	sshrl.u32 s1, $0x2  }
0xbd: {  	s3 =	sand.u32 $0x4000, s31;
	s1 =	sadd.s32 s1, s30  }
0xbe: {  	s0 =	sor.u32 s3, s0;
	s1 =	sshll.u32 s1, $0x11  }
0xbf: {  	s0 =	sor.u32 s1, s0  }
0xc0: {  	s0 =	sadd.s32 $0x8F2B, s0  }
0xc1: {  	[sflag:s0] =	ssyncadd.remote.s32 $0x1  }
0xc2: {  	_ =	sfence.sel $0xFFFF  }
0xc3: {  	[dreg:$0x0] =	wrdreg $0xFFFFFFFF;
	(pc) =	sbr.abs _section_cstart, $3  }
0xc4: {  	[dreg:$0x1] =	wrdreg $0xFFFFFFFF  }
0xc5: {  	_ =	task.clear_ibuf [dreg:s8], $0x2FFFF;
	_ =	strace $0x9FFFFFFF  }
0xc6: {  	(tm) =	ssettm $0x7FFFFFFF  }
0xc7: {  	_ =	shalt  }
tec
execute0_lowered:
.L_overlay_start_1:
0x0: {  	(tag) =	ssettag $0x1  }
0x1: {  	s1 =	rddreg [dreg:$0x0]  }
0x2: {  	s0 =	rddreg [dreg:$0x1];
	s12 =	stileid.u32  }
0x3: {  	s2 =	srdreg.scid;
	s3 =	smul.u32 $0x4E20, s12  }
0x4: {  	s4 =	rddreg [dreg:$0x3];
	s8 =	smul.u32 $0x14000, s12  }
0x5: {  	s5 =	rddreg [dreg:$0x4];
	s13 =	smul.u32 $0x2800, s12  }
0x6: {  	s6 =	simm.s32 $0x0;
	s31 =	simm.s32 $0xA0;
	s10 =	smul.u32 $0x280, s12  }
0x7: {  	s2 =	sand.u32 $0x1, s2;
	[smem:$0x7FF] =	sst s6;
	s15 =	smul.u32 $0xA000, s12  }
0x8: {  	s9 =	sadd.s32 $0x15E00, s0;
	s11 =	sadd.s32 $0x15C00, s0;
	s7 =	smul.u32 $0x2710, s2  }
0x9: {  	s25 =	smul.u32 $0x140000, s2;
	_ =	strace $0x80000047;
	[dreg:$0x6] =	wrdreg s9  }
0xa: {  	s26 =	smul.u32 $0x28000, s2;
	[dreg:$0x7] =	wrdreg s11;
	s2 =	ssub.s32 $0x2, s2  }
0xb: {  	s11 =	smul.u32 $0x50000, s12;
	s14 =	sshrl.u32 s2, $0x1;
	s17 =	sshrl.u32 s15, $0x2  }
0xc: {  	s18 =	sor.u32 $0x50, s10;
	s21 =	sadd.s32 $0xA0, s10;
	s23 =	sadd.s32 $0xF0, s10  }
0xd: {  	s15 =	sadd.s32 $0x1E0, s10;
	s3 =	sadd.s32 s7, s3;
	s7 =	sadd.s32 s8, s25  }
0xe: {  	s8 =	sadd.s32 s13, s26;
	s2 =	ssub.s32 s2, s14;
	s16 =	sshrl.u32 s11, $0x2  }
0xf: {  	s13 =	sadd.s32 s17, s5;
	s19 =	sshll.u32 s18, $0x7;
	s22 =	sshll.u32 s21, $0x7  }
0x10: {  	s24 =	sshll.u32 s23, $0x7;
	s25 =	sshll.u32 s23, $0x4;
	s26 =	sadd.s32 $0x140, s10  }
0x11: {  	s11 =	sadd.s32 $0x190, s10;
	s23 =	sshll.u32 s15, $0x7;
	s3 =	sshrl.u32 s3, $0x3  }
0x12: {  	s7 =	sshrl.u32 s7, $0x3;
	s8 =	sshrl.u32 s8, $0x3;
	s2 =	smax.u32 s2, $0x1  }
0x13: {  	s14 =	sadd.s32 s16, s4;
	s16 =	sadd.s32 s24, s4;
	s17 =	sadd.s32 s25, s5  }
0x14: {  	s9 =	sshll.u32 s26, $0x7;
	s12 =	sshll.u32 s11, $0x7;
	s24 =	sshll.u32 s15, $0x4  }
0x15: {  	s25 =	sadd.s32 $0x230, s10;
	s3 =	sadd.s32 s3, s0;
	s7 =	sadd.s32 s7, s0  }
0x16: {  	s0 =	sadd.s32 s8, s0;
	[dreg:$0x8] =	wrdreg s2;
	s2 =	sadd.s32 s19, s4  }
0x17: {  	s8 =	sshll.u32 s18, $0x4;
	s18 =	sadd.s32 s9, s4;
	[dreg:$0x9] =	wrdreg s2  }
0x18: {  	s20 =	sadd.s32 s8, s5;
	s2 =	sshll.u32 s21, $0x4;
	s8 =	sadd.s32 s22, s4  }
0x19: {  	s22 =	sadd.s32 s23, s4;
	s23 =	sadd.s32 s24, s5;
	s28 =	sadd.s32 $0xBE00, s3  }
0x1a: {  	s29 =	sadd.s32 $0x16000, s0;
	s30 =	sadd.s32 $0x20000, s7;
	[dreg:$0xa] =	wrdreg s20  }
0x1b: {  	s0 =	simm.s32 $0x2DA0;
	s7 =	simm.s32 $0x50;
	[dreg:$0xb] =	wrdreg s8  }
0x1c: {  	s2 =	sadd.s32 s2, s5;
	s8 =	sshll.u32 s26, $0x4;
	s20 =	sadd.s32 s12, s4  }
0x1d: {  	s26 =	sshll.u32 s25, $0x7;
	[dreg:$0xc] =	wrdreg s2;
	s19 =	sadd.s32 s8, s5  }
0x1e: {  	s2 =	sshll.u32 s11, $0x4;
	s8 =	sshll.u32 s25, $0x4;
	s24 =	sadd.s32 s26, s4  }
0x1f: {  	s26 =	sadd.s32 $0x2000, s3;
	s3 =	simm.s32 $0x1;
	s21 =	sadd.s32 s2, s5  }
0x20: {  	s25 =	sadd.s32 s8, s5;
	s2 =	simm.s32 $0x28A0;
	s8 =	simm.s32 $0x0  }
.LBB2_1:
0x21: {  	s9 =	rddreg [dreg:$0x2]  }
0x22: {  	[tilespmem:s31], [sflag:$0x1] =	stream.linear.gather [hbm4b:s9+s6], $0x2800, $0x38;
	[tilespmem:$0x19AA0] =	vst v63  }
0x23: {  	_ =	swait.ge [sflag:s3], $0x2800  }
0x24: {  	[sflag:s3] =	ssyncset.done $0x0  }
0x25: {  	s10 =	rddreg [dreg:$0x6];
	[sflag:s3] =	ssyncadd.s32 $0xFFFFD800  }
0x26: {  	[tilespmem:s0], [sflag:$0x1] =	stream.linear.gather [hbm4b:s10+s6], $0x500, $0x38;
	[tilespmem:$0x19AA0] =	vst v63  }
0x27: {  	_ =	swait.ge [sflag:s3], $0x500  }
0x28: {  	[sflag:s3] =	ssyncset.done $0x0  }
0x29: {  	s11 =	rddreg [dreg:$0x7];
	[sflag:s3] =	ssyncadd.s32 $0xFFFFFB00  }
0x2a: {  	[tilespmem:s2], [sflag:$0x1] =	stream.linear.gather [hbm4b:s11+s6], $0x500, $0x38;
	[tilespmem:$0x19AA0] =	vst v63  }
0x2b: {  	_ =	swait.ge [sflag:s3], $0x500  }
0x2c: {  	[sflag:s3] =	ssyncset.done $0x0  }
0x2d: {  	[sflag:s3] =	ssyncadd.s32 $0xFFFFFB00  }
0x2e: {  	[spmem:s14] =	stream.linear.scatter [tilespmem:s31], [sflag:$0x1], $0x2800, $0x38;
	[tilespmem:$0x19AA0] =	vst v63  }
0x2f: {  	_ =	swait.ge [sflag:s3], $0x2800  }
0x30: {  	[sflag:s3] =	ssyncset.done $0x0  }
0x31: {  	[sflag:s3] =	ssyncadd.s32 $0xFFFFD800  }
0x32: {  	[spmem:s13] =	stream.linear.scatter [tilespmem:s0], [sflag:$0x1], $0x500, $0x38;
	[tilespmem:$0x19AA0] =	vst v63  }
0x33: {  	_ =	swait.ge [sflag:s3], $0x500  }
0x34: {  	[sflag:s3] =	ssyncset.done $0x0  }
0x35: {  	s12 =	rddreg [dreg:$0x9];
	[sflag:s3] =	ssyncadd.s32 $0xFFFFFB00  }
0x36: {  	[spmem:s12] =	stream.linear.scatter [tilespmem:s31], [sflag:$0x1], $0x2800, $0x38;
	[tilespmem:$0x19AA0] =	vst v63  }
0x37: {  	_ =	swait.ge [sflag:s3], $0x2800  }
0x38: {  	[sflag:s3] =	ssyncset.done $0x0  }
0x39: {  	s15 =	rddreg [dreg:$0xa];
	[sflag:s3] =	ssyncadd.s32 $0xFFFFD800  }
0x3a: {  	[spmem:s15] =	stream.linear.scatter [tilespmem:s0], [sflag:$0x1], $0x500, $0x38;
	[tilespmem:$0x19AA0] =	vst v63  }
0x3b: {  	_ =	swait.ge [sflag:s3], $0x500  }
0x3c: {  	[sflag:s3] =	ssyncset.done $0x0  }
0x3d: {  	s10 =	rddreg [dreg:$0xb];
	[sflag:s3] =	ssyncadd.s32 $0xFFFFFB00  }
0x3e: {  	[spmem:s10] =	stream.linear.scatter [tilespmem:s31], [sflag:$0x1], $0x2800, $0x38;
	[tilespmem:$0x19AA0] =	vst v63  }
0x3f: {  	_ =	swait.ge [sflag:s3], $0x2800  }
0x40: {  	[sflag:s3] =	ssyncset.done $0x0  }
0x41: {  	s11 =	rddreg [dreg:$0xc];
	[sflag:s3] =	ssyncadd.s32 $0xFFFFD800  }
0x42: {  	[spmem:s11] =	stream.linear.scatter [tilespmem:s0], [sflag:$0x1], $0x500, $0x38;
	[tilespmem:$0x19AA0] =	vst v63  }
0x43: {  	_ =	swait.ge [sflag:s3], $0x500  }
0x44: {  	[sflag:s3] =	ssyncset.done $0x0  }
0x45: {  	[sflag:s3] =	ssyncadd.s32 $0xFFFFFB00  }
0x46: {  	[spmem:s16] =	stream.linear.scatter [tilespmem:s31], [sflag:$0x1], $0x2800, $0x38;
	[tilespmem:$0x19AA0] =	vst v63  }
0x47: {  	_ =	swait.ge [sflag:s3], $0x2800  }
0x48: {  	[sflag:s3] =	ssyncset.done $0x0  }
0x49: {  	[sflag:s3] =	ssyncadd.s32 $0xFFFFD800  }
0x4a: {  	[spmem:s17] =	stream.linear.scatter [tilespmem:s0], [sflag:$0x1], $0x500, $0x38;
	[tilespmem:$0x19AA0] =	vst v63  }
0x4b: {  	_ =	swait.ge [sflag:s3], $0x500  }
0x4c: {  	[sflag:s3] =	ssyncset.done $0x0  }
0x4d: {  	[sflag:s3] =	ssyncadd.s32 $0xFFFFFB00  }
0x4e: {  	[spmem:s18] =	stream.linear.scatter [tilespmem:s31], [sflag:$0x1], $0x2800, $0x38;
	[tilespmem:$0x19AA0] =	vst v63  }
0x4f: {  	_ =	swait.ge [sflag:s3], $0x2800  }
0x50: {  	[sflag:s3] =	ssyncset.done $0x0  }
0x51: {  	[sflag:s3] =	ssyncadd.s32 $0xFFFFD800  }
0x52: {  	[spmem:s19] =	stream.linear.scatter [tilespmem:s0], [sflag:$0x1], $0x500, $0x38;
	[tilespmem:$0x19AA0] =	vst v63  }
0x53: {  	_ =	swait.ge [sflag:s3], $0x500  }
0x54: {  	[sflag:s3] =	ssyncset.done $0x0  }
0x55: {  	[sflag:s3] =	ssyncadd.s32 $0xFFFFFB00  }
0x56: {  	[spmem:s20] =	stream.linear.scatter [tilespmem:s31], [sflag:$0x1], $0x2800, $0x38;
	[tilespmem:$0x19AA0] =	vst v63  }
0x57: {  	_ =	swait.ge [sflag:s3], $0x2800  }
0x58: {  	[sflag:s3] =	ssyncset.done $0x0  }
0x59: {  	[sflag:s3] =	ssyncadd.s32 $0xFFFFD800  }
0x5a: {  	[spmem:s21] =	stream.linear.scatter [tilespmem:s0], [sflag:$0x1], $0x500, $0x38;
	[tilespmem:$0x19AA0] =	vst v63  }
0x5b: {  	_ =	swait.ge [sflag:s3], $0x500  }
0x5c: {  	[sflag:s3] =	ssyncset.done $0x0  }
0x5d: {  	[sflag:s3] =	ssyncadd.s32 $0xFFFFFB00  }
0x5e: {  	[spmem:s22] =	stream.linear.scatter [tilespmem:s31], [sflag:$0x1], $0x2800, $0x38;
	[tilespmem:$0x19AA0] =	vst v63  }
0x5f: {  	_ =	swait.ge [sflag:s3], $0x2800  }
0x60: {  	[sflag:s3] =	ssyncset.done $0x0  }
0x61: {  	[sflag:s3] =	ssyncadd.s32 $0xFFFFD800  }
0x62: {  	[spmem:s23] =	stream.linear.scatter [tilespmem:s0], [sflag:$0x1], $0x500, $0x38;
	[tilespmem:$0x19AA0] =	vst v63  }
0x63: {  	_ =	swait.ge [sflag:s3], $0x500  }
0x64: {  	[sflag:s3] =	ssyncset.done $0x0  }
0x65: {  	[sflag:s3] =	ssyncadd.s32 $0xFFFFFB00  }
0x66: {  	[spmem:s24] =	stream.linear.scatter [tilespmem:s31], [sflag:$0x1], $0x2800, $0x38;
	[tilespmem:$0x19AA0] =	vst v63  }
0x67: {  	_ =	swait.ge [sflag:s3], $0x2800  }
0x68: {  	[sflag:s3] =	ssyncset.done $0x0  }
0x69: {  	[sflag:s3] =	ssyncadd.s32 $0xFFFFD800  }
0x6a: {  	[spmem:s25] =	stream.linear.scatter [tilespmem:s0], [sflag:$0x1], $0x500, $0x38;
	[tilespmem:$0x19AA0] =	vst v63  }
0x6b: {  	_ =	swait.ge [sflag:s3], $0x500  }
0x6c: {  	[sflag:s3] =	ssyncset.done $0x0  }
0x6d: {  	[sflag:s3] =	ssyncadd.s32 $0xFFFFFB00  }
0x6e: {  	s12 =	sadd.s32 $0x0, s28;
	[bflag:$0x0] =	sbarrier.arrive $0xFFFF  }
0x6f: {  	[tilespmem:s6], [sflag:$0x1] =	stream.linear.gather [hbm4b:s12+s6], $0x50, $0x38;
	[tilespmem:$0x19AA0] =	vst v63  }
0x70: {  	_ =	swait.ge [sflag:s3], $0x50  }
0x71: {  	[sflag:s3] =	ssyncset.done $0x0  }
0x72: {  	s15 =	sadd.s32 $0x0, s26;
	[sflag:s3] =	ssyncadd.s32 $0xFFFFFFB0  }
0x73: {  	[tilespmem:s7], [sflag:$0x1] =	stream.linear.gather [hbm4b:s15+s6], $0x50, $0x38;
	[tilespmem:$0x19AA0] =	vst v63  }
0x74: {  	_ =	swait.ge [sflag:s3], $0x50  }
0x75: {  	[sflag:s3] =	ssyncset.done $0x0  }
0x76: {  	[sflag:s3] =	ssyncadd.s32 $0xFFFFFFB0  }
0x77: {  	[tilespmem:s31], [sflag:$0x1] =	stream.indirect.gather [hbm4b:s1+s7], $0x80, s6, s7, $0xb8;
	[tilespmem:$0x19AA0] =	vst v63  }
0x78: {  	_ =	swait.ge [sflag:s3], $0x2800  }
0x79: {  	[sflag:s3] =	ssyncset.done $0x0  }
0x7a: {  	[sflag:s3] =	ssyncadd.s32 $0xFFFFD800  }
0x7b: {  	[spmem:s4] =	stream.indirect.scatter.add.f32 [tilespmem:s31], [sflag:$0x1], $0x80, s7, s7, $0xb8;
	[tilespmem:$0x19AA0] =	vst v63  }
0x7c: {  	_ =	swait.ge [sflag:s3], $0x2800  }
0x7d: {  	[sflag:s3] =	ssyncset.done $0x0  }
0x7e: {  	[sflag:s3] =	ssyncadd.s32 $0xFFFFD800  }
0x7f: {  	[spmem:s5] =	stream.indirect.scatter.add.f32 [tilespmem:s2], [sflag:$0x1], $0x10, s7, s7, $0xb8;
	[tilespmem:$0x19AA0] =	vst v63  }
0x80: {  	_ =	swait.ge [sflag:s3], $0x500  }
0x81: {  	s9 =	simm.s32 $0xA;
	s10 =	simm.s32 $0x14;
	[sflag:s3] =	ssyncset.done $0x0  }
.LBB2_2:
0x82: {  	s11 =	sadd.s32 s9, s28  }
0x83: {  	[sflag:s3] =	ssyncadd.s32 $0xFFFFFB00;
	s12 =	smov.u32 s10;
	s15 =	sadd.s32 $0xA, s10  }
0x84: {  	[tilespmem:s6], [sflag:$0x1] =	stream.linear.gather [hbm4b:s11+s6], $0x50, $0x38;
	[tilespmem:$0x19AA0] =	vst v63  }
0x85: {  	p0 =	sne.s32 s10, $0x4D8;
	_ =	swait.ge [sflag:s3], $0x50  }
0x86: {  	[sflag:s3] =	ssyncset.done $0x0  }
0x87: {  	s10 =	sadd.s32 s9, s26;
	s9 =	smov.u32 s12;
	[sflag:s3] =	ssyncadd.s32 $0xFFFFFFB0  }
0x88: {  	[tilespmem:s7], [sflag:$0x1] =	stream.linear.gather [hbm4b:s10+s6], $0x50, $0x38;
	[tilespmem:$0x19AA0] =	vst v63  }
0x89: {  	_ =	swait.ge [sflag:s3], $0x50  }
0x8a: {  	[sflag:s3] =	ssyncset.done $0x0  }
0x8b: {  	[sflag:s3] =	ssyncadd.s32 $0xFFFFFFB0  }
0x8c: {  	[tilespmem:s31], [sflag:$0x1] =	stream.indirect.gather [hbm4b:s1+s7], $0x80, s6, s7, $0xb8;
	[tilespmem:$0x19AA0] =	vst v63  }
0x8d: {  	_ =	swait.ge [sflag:s3], $0x2800  }
0x8e: {  	[sflag:s3] =	ssyncset.done $0x0  }
0x8f: {  	[sflag:s3] =	ssyncadd.s32 $0xFFFFD800  }
0x90: {  	[spmem:s4] =	stream.indirect.scatter.add.f32 [tilespmem:s31], [sflag:$0x1], $0x80, s7, s7, $0xb8;
	[tilespmem:$0x19AA0] =	vst v63  }
0x91: {  	_ =	swait.ge [sflag:s3], $0x2800  }
.Ltmp0:
0x92: {  	[sflag:s3] =	ssyncset.done $0x0;
	(pc) =	sbr.rel @p0 .LBB2_2-.Ltmp0, $4  }
0x93: {  	[sflag:s3] =	ssyncadd.s32 $0xFFFFD800  }
0x94: {  	[spmem:s5] =	stream.indirect.scatter.add.f32 [tilespmem:s2], [sflag:$0x1], $0x10, s7, s7, $0xb8;
	[tilespmem:$0x19AA0] =	vst v63  }
0x95: {  	_ =	swait.ge [sflag:s3], $0x500  }
0x96: {  	s10 =	smov.u32 s15;
	[sflag:s3] =	ssyncset.done $0x0  }
0x97: {  	s10 =	sadd.s32 s9, s28;
	[sflag:s3] =	ssyncadd.s32 $0xFFFFFB00  }
0x98: {  	[tilespmem:s6], [sflag:$0x1] =	stream.linear.gather [hbm4b:s10+s6], $0x50, $0x38;
	[tilespmem:$0x19AA0] =	vst v63  }
0x99: {  	_ =	swait.ge [sflag:s3], $0x50  }
0x9a: {  	[sflag:s3] =	ssyncset.done $0x0  }
0x9b: {  	s12 =	sadd.s32 s9, s26;
	[sflag:s3] =	ssyncadd.s32 $0xFFFFFFB0  }
0x9c: {  	[tilespmem:s7], [sflag:$0x1] =	stream.linear.gather [hbm4b:s12+s6], $0x50, $0x38;
	[tilespmem:$0x19AA0] =	vst v63  }
0x9d: {  	_ =	swait.ge [sflag:s3], $0x50  }
0x9e: {  	[sflag:s3] =	ssyncset.done $0x0  }
0x9f: {  	[sflag:s3] =	ssyncadd.s32 $0xFFFFFFB0  }
0xa0: {  	[tilespmem:s31], [sflag:$0x1] =	stream.indirect.gather [hbm4b:s1+s7], $0x80, s6, s7, $0xb8;
	[tilespmem:$0x19AA0] =	vst v63  }
0xa1: {  	_ =	swait.ge [sflag:s3], $0x2800  }
0xa2: {  	[sflag:s3] =	ssyncset.done $0x0  }
0xa3: {  	[sflag:s3] =	ssyncadd.s32 $0xFFFFD800  }
0xa4: {  	[spmem:s4] =	stream.indirect.scatter.add.f32 [tilespmem:s31], [sflag:$0x1], $0x80, s7, s7, $0xb8;
	[tilespmem:$0x19AA0] =	vst v63  }
0xa5: {  	_ =	swait.ge [sflag:s3], $0x2800  }
0xa6: {  	[sflag:s3] =	ssyncset.done $0x0  }
0xa7: {  	[sflag:s3] =	ssyncadd.s32 $0xFFFFD800  }
0xa8: {  	[spmem:s5] =	stream.indirect.scatter.add.f32 [tilespmem:s2], [sflag:$0x1], $0x10, s7, s7, $0xb8;
	[tilespmem:$0x19AA0] =	vst v63  }
0xa9: {  	_ =	swait.ge [sflag:s3], $0x500  }
0xaa: {  	[sflag:s3] =	ssyncset.done $0x0  }
0xab: {  	[sflag:s3] =	ssyncadd.s32 $0xFFFFFB00  }
0xac: {  	[bflag:$0x0] =	sbarrier.arrive $0xFFFF  }
0xad: {  	[tilespmem:s31], [sflag:$0x1] =	stream.linear.gather [spmem:s14], $0x2800, $0x38;
	[tilespmem:$0x19AA0] =	vst v63  }
0xae: {  	_ =	swait.ge [sflag:s3], $0x2800  }
0xaf: {  	[sflag:s3] =	ssyncset.done $0x0  }
0xb0: {  	[sflag:s3] =	ssyncadd.s32 $0xFFFFD800  }
0xb1: {  	[hbm4b:s30+s6] =	stream.linear.scatter [tilespmem:s31], [sflag:$0x1], $0x2800, $0x38;
	[tilespmem:$0x19AA0] =	vst v63  }
0xb2: {  	_ =	swait.ge [sflag:s3], $0x2800  }
0xb3: {  	[sflag:s3] =	ssyncset.done $0x0  }
0xb4: {  	[sflag:s3] =	ssyncadd.s32 $0xFFFFD800  }
0xb5: {  	[tilespmem:s0], [sflag:$0x1] =	stream.linear.gather [spmem:s13], $0x500, $0x38;
	[tilespmem:$0x19AA0] =	vst v63  }
0xb6: {  	_ =	swait.ge [sflag:s3], $0x500  }
0xb7: {  	[sflag:s3] =	ssyncset.done $0x0  }
0xb8: {  	s15 =	sadd.s32 $0x0, s29;
	[sflag:s3] =	ssyncadd.s32 $0xFFFFFB00  }
0xb9: {  	[hbm4b:s15+s6] =	stream.linear.scatter [tilespmem:s0], [sflag:$0x1], $0x500, $0x38;
	[tilespmem:$0x19AA0] =	vst v63  }
0xba: {  	s9 =	simm.s32 $0xA0;
	s11 =	smov.u32 s13;
	_ =	swait.ge [sflag:s3], $0x500  }
0xbb: {  	s10 =	smov.u32 s14;
	s12 =	sadd.s32 $0x500, s30;
	[sflag:s3] =	ssyncset.done $0x0  }
.LBB2_4:
0xbc: {  	[sflag:s3] =	ssyncadd.s32 $0xFFFFFB00  }
0xbd: {  	s11 =	sadd.s32 $0x500, s11;
	s10 =	sadd.s32 $0x2800, s10;
	s15 =	smov.u32 s9  }
0xbe: {  	[tilespmem:s31], [sflag:$0x1] =	stream.linear.gather [spmem:s10], $0x2800, $0x38;
	[tilespmem:$0x19AA0] =	vst v63  }
0xbf: {  	p0 =	sne.s32 s9, $0x460;
	s9 =	sadd.s32 $0xA0, s9;
	_ =	swait.ge [sflag:s3], $0x2800  }
0xc0: {  	[sflag:s3] =	ssyncset.done $0x0  }
0xc1: {  	[sflag:s3] =	ssyncadd.s32 $0xFFFFD800  }
0xc2: {  	[hbm4b:s12+s6] =	stream.linear.scatter [tilespmem:s31], [sflag:$0x1], $0x2800, $0x38;
	[tilespmem:$0x19AA0] =	vst v63  }
0xc3: {  	_ =	swait.ge [sflag:s3], $0x2800  }
0xc4: {  	[sflag:s3] =	ssyncset.done $0x0  }
0xc5: {  	[sflag:s3] =	ssyncadd.s32 $0xFFFFD800  }
0xc6: {  	[tilespmem:s0], [sflag:$0x1] =	stream.linear.gather [spmem:s11], $0x500, $0x38;
	[tilespmem:$0x19AA0] =	vst v63  }
0xc7: {  	_ =	swait.ge [sflag:s3], $0x500  }
.Ltmp1:
0xc8: {  	[sflag:s3] =	ssyncset.done $0x0;
	(pc) =	sbr.rel @p0 .LBB2_4-.Ltmp1, $4  }
0xc9: {  	s15 =	sadd.s32 s15, s29;
	[sflag:s3] =	ssyncadd.s32 $0xFFFFFB00  }
0xca: {  	[hbm4b:s15+s6] =	stream.linear.scatter [tilespmem:s0], [sflag:$0x1], $0x500, $0x38;
	[tilespmem:$0x19AA0] =	vst v63  }
0xcb: {  	_ =	swait.ge [sflag:s3], $0x500  }
0xcc: {  	s12 =	sadd.s32 $0x500, s12;
	[sflag:s3] =	ssyncset.done $0x0  }
0xcd: {  	s8 =	sadd.s32 $0x1, s8;
	s9 =	rddreg [dreg:$0x8]  }
0xce: {  	p0 =	sne.s32 s8, s9  }
.Ltmp2:
0xcf: {  	_ = 	snop;
	(pc) =	sbr.rel @p0 .LBB2_1-.Ltmp2, $2  }
0xd0: {  	_ =	sdelay $0x2  }
0xd1: {  	[sflag:s3] =	ssyncadd.s32 $0xFFFFFB00  }
0xd2: {  	_ =	sfence.sel $0x180000  }
0xd3: {  	[bflag:$0x0] =	sbarrier.arrive $0xFFFF  }
0xd4: {  	_ =	strace $0x90000047  }
0xd5: {  	s0 =	stileid.u32;
	[bflag:$0x2] =	sbarrier.arrive $0xFFFF  }
0xd6: {  	p0 =	sne.s32 s0, $0x0;
	s0 =	rddreg [dreg:$0x5]  }
0xd7: {  	s0 =	sadd.s32 @!p0 $0x100000, s0  }
0xd8: {  	[sflag:s0] =	ssyncadd.tile.s32 @!p0 $0x1;
	_ =	shalt  }
.Lfunc_end2:
_tile_overlayer_lowered:
.L_overlay_start_2:
0xd9: {  	(tag) =	ssettag $0x2  }
0xda: {  	s0 =	rddreg [dreg:$0x0];
	s2 =	stileid.u32  }
0xdb: {  	s1 =	rddreg [dreg:$0x1];
	p0 =	sne.s32 s2, $0x0  }
0xdc: {  	s3 =	rddreg [dreg:$0x2];
	[bflag:$0x3] =	sbarrier.arrive $0xFFFF;
	s2 =	simm.s32 @!p0 $0x1C01  }
0xdd: {  	[timem:s3], [sflag:s2] =	dma.local @!p0 [hbm:s0], s1  }
0xde: {  	s0 =	simm.s32 @!p0 $0x1  }
0xdf: {  	_ =	swait.ge @!p0 [sflag:s0], s1  }
0xe0: {  	s1 =	ssub.s32 @!p0 $0x0, s1;
	[sflag:s0] =	ssyncset.done @!p0 $0x0  }
0xe1: {  	[sflag:s0] =	ssyncadd.s32 @!p0 s1  }
0xe2: {  	[bflag:$0x3] =	sbarrier.arrive $0xFFFF  }
0xe3: {  	_ =	shalt  }

// kernel: kernel.9.cloned.1.call-start
scs
__scs_entry_jumppad:
0x0: {  	(pc) =	sbr.rel $0x88, $3  }
0x1: {  	(tag) =	ssettag $0x0;
	lr =	simm.s32 $0x1  }
0x2: {  	[smem:$0x3F98] =	sst lr;
	_ =	strace $0xD0000000  }
0x3: {  	_ = 	snop  }
0x4: {  	_ = 	snop  }
0x5: {  	_ = 	snop  }
0x6: {  	_ = 	snop  }
0x7: {  	_ = 	snop  }
__scs_overlays_trampoline_lowered:
0x8: {  	[smem:$0x3FA7] =	sst s0  }
0x9: {  	[smem:$0x3FA8] =	sst s1  }
0xa: {  	[smem:$0x3FA9] =	sst s2  }
0xb: {  	[smem:$0x3FAA] =	sst s3  }
0xc: {  	[smem:$0x3FAB] =	sst s4  }
0xd: {  	[smem:$0x3FAC] =	sst s5  }
0xe: {  	[smem:$0x3FAD] =	sst s6  }
0xf: {  	[smem:$0x3FAE] =	sst s7  }
0x10: {  	[smem:$0x3FAF] =	sst s8  }
0x11: {  	[smem:$0x3FB0] =	sst s9;
	s0 =	simm.s32 @!p0 $0x0  }
0x12: {  	s1 =	sld [smem:$0x3F96];
	s0 =	simm.s32 @p0 $0x1  }
0x13: {  	[smem:$0x3FB1] =	sst s0;
	s0 =	simm.s32 @!p1 $0x0  }
0x14: {  	s2 =	sld [smem:$0x3F95];
	s0 =	simm.s32 @p1 $0x1  }
0x15: {  	[smem:$0x3FB2] =	sst s0;
	s0 =	simm.s32 @!p2 $0x0  }
0x16: {  	s3 =	sld [smem:$0x3FDB];
	s0 =	simm.s32 @p2 $0x1  }
0x17: {  	s4 =	simm.s32 $0x1BF5;
	[smem:$0x3FB4] =	sst s0  }
0x18: {  	s0 =	sld [smem:$0x3F97];
	_ =	swait.ge [sflag:s4], $0x0  }
0x19: {  	s7 =	sld [smem:$0x3F98]  }
0x1a: {  	s8 =	sadd.s32 $0xFFFFE003, lr  }
0x1b: {  	s9 =	sadd.s32 $0xFFFFFEF7, lr;
	s5 =	simm.s32 $0xFFFFFFFF;
	p2 =	slt.u32 s8, $0xFFFFF086  }
0x1c: {  	p1 =	slt.u32 s9, $0xF7A;
	s5 =	simm.s32 @!p2 $0x0  }
0x1d: {  	s5 =	simm.s32 @p1 $0x1;
	p0 =	seq.s32 s7, s2  }
0x1e: {  	s7 =	smul.u32 @!p0 $0xF7A, s2;
	p2 =	seq.s32 @!p0 s5, $0x0  }
0x1f: {  	s9 =	smul.u32 $0xF7A, s1;
	s8 =	simm.s32 @!p0 $0x1BF5;
	p2 =	por !p2, p0  }
0x20: {  	[sflag:s8] =	ssyncset.s32 @!p0 $0xFFFFF086;
	s6 =	sadd.s32 @!p0 s3, s7;
	s7 =	simm.s32 @!p0 $0x108  }
0x21: {  	s3 =	sadd.s32 s3, s9;
	s6 =	sadd.s32 @!p0 $0x88, s6;
	s7 =	simm.s32 @p2 $0x1082  }
0x22: {  	[simem:s7], [sflag:s8] =	dma.local @!p0 [hbm:s6], $0xF7A  }
0x23: {  	s9 =	sor.u32 $0xD0000000, s2;
	s6 =	simm.s32 $0x108;
	_ =	swait.ge @!p0 [sflag:s8], $0x0  }
0x24: {  	s3 =	sadd.s32 $0x88, s3;
	s6 =	simm.s32 @!p1 $0x1082;
	[sflag:s4] =	ssyncset.s32 $0xFFFFF086  }
0x25: {  	[simem:s6], [sflag:s4] =	dma.local [hbm:s3], $0xF7A  }
0x26: {  	[smem:$0x3F98] =	sst s1;
	(tag) =	ssettag s2;
	_ =	strace s9  }
0x27: {  	s1 =	sld [smem:$0x3FA8]  }
0x28: {  	s2 =	sld [smem:$0x3FA9]  }
0x29: {  	s4 =	sld [smem:$0x3FAB]  }
0x2a: {  	p0 =	seq.s32 s5, $0x0;
	s5 =	sld [smem:$0x3FAC]  }
0x2b: {  	s6 =	sld [smem:$0x3FAD]  }
0x2c: {  	s7 =	sld [smem:$0x3FAE]  }
0x2d: {  	s3 =	simm.s32 $0x108;
	s8 =	sld [smem:$0x3FAF]  }
0x2e: {  	s3 =	simm.s32 @!p0 $0x1082;
	s9 =	sld [smem:$0x3FB0]  }
0x2f: {  	lr =	sadd.s32 s0, s3;
	s0 =	sld [smem:$0x3FA7]  }
0x30: {  	s3 =	sld [smem:$0x3FAA]  }
0x31: {  	[smem:$0x3FB3] =	sst s10  }
0x32: {  	s10 =	sld [smem:$0x3FB1];
	_ =	sdelay $0x3  }
0x33: {  	p0 =	seq.s32 s10, $0x1;
	s10 =	sld [smem:$0x3FB3];
	_ =	sdelay $0x3  }
0x34: {  	[smem:$0x3FB3] =	sst s10  }
0x35: {  	s10 =	sld [smem:$0x3FB2];
	_ =	sdelay $0x3  }
0x36: {  	p1 =	seq.s32 s10, $0x1;
	s10 =	sld [smem:$0x3FB3];
	_ =	sdelay $0x3  }
0x37: {  	[smem:$0x3FB3] =	sst s10  }
0x38: {  	s10 =	sld [smem:$0x3FB4]  }
0x39: {  	_ = 	snop;
	(pc) =	sbr.ind lr, $3  }
0x3a: {  	_ = 	snop  }
0x3b: {  	_ = 	snop  }
0x3c: {  	p2 =	seq.s32 s10, $0x1;
	s10 =	sld [smem:$0x3FB3]  }
0x3d: {  	_ =	shalt  }
0x3e: {  	_ =	shalt  }
0x3f: {  	_ =	shalt  }
0x40: {  	_ =	shalt  }
0x41: {  	_ =	shalt  }
0x42: {  	_ =	shalt  }
0x43: {  	_ =	shalt  }
0x44: {  	_ =	shalt  }
0x45: {  	_ =	shalt  }
0x46: {  	_ =	shalt  }
0x47: {  	_ =	shalt  }
0x48: {  	_ =	shalt  }
0x49: {  	_ =	shalt  }
0x4a: {  	_ =	shalt  }
0x4b: {  	_ =	shalt  }
0x4c: {  	_ =	shalt  }
0x4d: {  	_ =	shalt  }
0x4e: {  	_ =	shalt  }
0x4f: {  	_ =	shalt  }
0x50: {  	_ =	shalt  }
0x51: {  	_ =	shalt  }
0x52: {  	_ =	shalt  }
0x53: {  	_ =	shalt  }
0x54: {  	_ =	shalt  }
0x55: {  	_ =	shalt  }
0x56: {  	_ =	shalt  }
0x57: {  	_ =	shalt  }
0x58: {  	_ =	shalt  }
0x59: {  	_ =	shalt  }
0x5a: {  	_ =	shalt  }
0x5b: {  	_ =	shalt  }
0x5c: {  	_ =	shalt  }
0x5d: {  	_ =	shalt  }
0x5e: {  	_ =	shalt  }
0x5f: {  	_ =	shalt  }
0x60: {  	_ =	shalt  }
0x61: {  	_ =	shalt  }
0x62: {  	_ =	shalt  }
0x63: {  	_ =	shalt  }
0x64: {  	_ =	shalt  }
0x65: {  	_ =	shalt  }
0x66: {  	_ =	shalt  }
0x67: {  	_ =	shalt  }
0x68: {  	_ =	shalt  }
0x69: {  	_ =	shalt  }
0x6a: {  	_ =	shalt  }
0x6b: {  	_ =	shalt  }
0x6c: {  	_ =	shalt  }
0x6d: {  	_ =	shalt  }
0x6e: {  	_ =	shalt  }
0x6f: {  	_ =	shalt  }
0x70: {  	_ =	shalt  }
0x71: {  	_ =	shalt  }
0x72: {  	_ =	shalt  }
0x73: {  	_ =	shalt  }
0x74: {  	_ =	shalt  }
0x75: {  	_ =	shalt  }
0x76: {  	_ =	shalt  }
0x77: {  	_ =	shalt  }
0x78: {  	_ =	shalt  }
0x79: {  	_ =	shalt  }
0x7a: {  	_ =	shalt  }
0x7b: {  	_ =	shalt  }
0x7c: {  	_ =	shalt  }
0x7d: {  	_ =	shalt  }
0x7e: {  	_ =	shalt  }
0x7f: {  	_ =	shalt  }
0x80: {  	_ =	shalt  }
0x81: {  	_ =	shalt  }
0x82: {  	_ =	shalt  }
0x83: {  	_ =	shalt  }
0x84: {  	_ =	shalt  }
0x85: {  	_ =	shalt  }
0x86: {  	_ =	shalt  }
0x87: {  	_ =	shalt  }
.Lfunc_end0:
.L_simem_size_0:
called_computation.1_lowered:
.L_overlay_start_0:
0x88: {  	s2 =	sld [smem:$0x3FD9]  }
0x89: {  	s3 =	sld [smem:$0x3FFE];
	_ =	sdelay $0x1  }
0x8a: {  	s1 =	srdreg.scid  }
0x8b: {  	s0 =	sand.u32 $0x1, s1  }
0x8c: {  	s17 =	sshll.u32 s0, $0xA;
	s2 =	sadd.s32 s3, s2  }
0x8d: {  	s2 =	sadd.s32 s2, s17  }
0x8e: {  	[smem:$0x3FBF] =	sst s2  }
0x8f: {  	_ = 	snop  }
0x90: {  	s2 =	sld [smem:$0x3FD0];
	(tm) =	ssettm $0x1  }
0x91: {  	s18 =	sld [smem:$0x3FFB];
	_ =	sdelay $0x3  }
0x92: {  	_ =	strace s18  }
0x93: {  	s3 =	sld [smem:$0x3FFC];
	_ =	sdelay $0x3  }
0x94: {  	_ =	strace s3  }
0x95: {  	s3 =	sld [smem:$0x3FFD];
	_ =	sdelay $0x3  }
0x96: {  	_ =	strace s3  }
0x97: {  	_ =	strace $0x8FFFFFFF  }
0x98: {  	s19 =	sld [smem:$0x3FDB];
	_ =	sdelay $0x1  }
0x99: {  	s4 =	simm.s32 $_scs_section_size  }
0x9a: {  	s5 =	simm.s32 $_size__tile_overlayer_lowered;
	s6 =	simm.s32 $_tile_overlayer_lowered  }
0x9b: {  	s22 =	simm.s32 $0x1BFF;
	s21 =	sshll.u32 s6, $0x1;
	s3 =	sadd.s32 s4, s19  }
0x9c: {  	s7 =	simm.s32 $0x0;
	s20 =	sshll.u32 s5, $0x1;
	s5 =	sadd.s32 s21, s3  }
0x9d: {  	[timem:s7], [sflag:s22] =	dma.local [hbm:s5], s20  }
0x9e: {  	_ =	swait.ge [sflag:s22], s20  }
0x9f: {  	s4 =	ssub.s32 $0x0, s20;
	[sflag:s22] =	ssyncset.done $0x0  }
0xa0: {  	[sflag:s22] =	ssyncadd.s32 s4;
	_ =	sdelay $0x1  }
0xa1: {  	s23 =	simm.s32 $0x1B8B  }
0xa2: {  	_ =	swait.ge [sflag:s23], $0x1  }
0xa3: {  	[sflag:s23] =	ssyncset.done $0x0  }
0xa4: {  	s25 =	simm.s32 $0x1B8E;
	s24 =	sld [smem:$0x3FFE];
	[sflag:s23] =	ssyncadd.s32 $0xFFFFFFFF  }
0xa5: {  	s26 =	simm.s32 $execute0_lowered;
	[smem:$0x3FD2] =	sst s25  }
0xa6: {  	s5 =	sshll.u32 s26, $0x1;
	_ =	strace $0x80000049;
	[dreg:$0x1] =	wrdreg $0xFFFFFFFF  }
0xa7: {  	s28 =	simm.s32 $_size_execute0_lowered;
	s3 =	sadd.s32 s3, s5;
	[dreg:$0x0] =	wrdreg $0x0  }
0xa8: {  	s5 =	sshll.u32 s28, $0x1;
	[dreg:$0x2] =	wrdreg s3  }
0xa9: {  	[dreg:$0x3] =	wrdreg s5  }
0xaa: {  	[dreg:$0x4] =	wrdreg $0xC0  }
0xab: {  	_ =	task [dreg:s7], $0x5FFFF  }
0xac: {  	[dreg:$0x1] =	wrdreg $0xFFFFFFFF  }
0xad: {  	[dreg:$0x0] =	wrdreg $0x60  }
0xae: {  	[dreg:$0x2] =	wrdreg s2  }
0xaf: {  	[dreg:$0x3] =	wrdreg s24  }
0xb0: {  	[dreg:$0x4] =	wrdreg $0x9  }
0xb1: {  	_ =	task.clear_ibuf [dreg:s7], $0x5FFFF;
	_ =	strace $0x90000049  }
0xb2: {  	s29 =	simm.s32 $0x9;
	_ =	strace $0x8000004B  }
0xb3: {  	_ =	swait.ge [sflag:s29], $0x1  }
0xb4: {  	[sflag:s29] =	ssyncadd.s32 $0xFFFFFFFF  }
0xb5: {  	_ =	strace $0x9000004B  }
0xb6: {  	_ =	sfence  }
0xb7: {  	s30 =	sld [smem:$0x0];
	_ =	sdelay $0x2  }
0xb8: {  	s31 =	sshll.u32 s1, $0xD;
	s1 =	sshrl.u32 s1, $0x2  }
0xb9: {  	s3 =	sand.u32 $0x4000, s31;
	s1 =	sadd.s32 s1, s30  }
0xba: {  	s0 =	sor.u32 s3, s0;
	s1 =	sshll.u32 s1, $0x11  }
0xbb: {  	s0 =	sor.u32 s1, s0  }
0xbc: {  	s0 =	sadd.s32 $0x8F2B, s0  }
0xbd: {  	[sflag:s0] =	ssyncadd.remote.s32 $0x1  }
0xbe: {  	_ =	sfence.sel $0xFFFF  }
0xbf: {  	[dreg:$0x0] =	wrdreg $0xFFFFFFFF;
	(pc) =	sbr.abs _section_cstart, $3  }
0xc0: {  	[dreg:$0x1] =	wrdreg $0xFFFFFFFF  }
0xc1: {  	_ =	task.clear_ibuf [dreg:s7], $0x2FFFF;
	_ =	strace $0x9FFFFFFF  }
0xc2: {  	(tm) =	ssettm $0x7FFFFFFF  }
0xc3: {  	_ =	shalt  }
tec
execute0_lowered:
.L_overlay_start_1:
0x0: {  	(tag) =	ssettag $0x1  }
0x1: {  	s1 =	rddreg [dreg:$0x0]  }
0x2: {  	s5 =	rddreg [dreg:$0x1]  }
0x3: {  	s0 =	rddreg [dreg:$0x2];
	s3 =	simm.s32 $0x0;
	s4 =	srdreg.scid  }
0x4: {  	s2 =	stileid.u32;
	s11 =	simm.s32 $0x50;
	s12 =	simm.s32 $0xA0  }
0x5: {  	s13 =	simm.s32 $0x14A0;
	s14 =	simm.s32 $0x0;
	s7 =	smul.u32 $0x4E20, s2  }
0x6: {  	[smem:$0x7FF] =	sst s3;
	s6 =	sand.u32 $0x1, s4;
	s9 =	smul.u32 $0x27100, s2  }
0x7: {  	s4 =	sadd.s32 $0x15C00, s5;
	s8 =	smul.u32 $0x2710, s6;
	s10 =	ssub.s32 $0x2, s6  }
0x8: {  	_ =	strace $0x8000004A;
	s6 =	smul.u32 $0x13880, s6;
	s29 =	sshrl.u32 s10, $0x1  }
0x9: {  	s9 =	sadd.s32 s9, s5;
	s7 =	sadd.s32 s8, s7;
	s8 =	ssub.s32 s10, s29  }
0xa: {  	s31 =	sadd.s32 s6, s9;
	s10 =	simm.s32 $0x1;
	s7 =	sshrl.u32 s7, $0x3  }
0xb: {  	s6 =	sadd.s32 $0x29600, s31;
	s30 =	sadd.s32 s7, s5;
	s5 =	smax.u32 s8, $0x1  }
0xc: {  	s7 =	sadd.s32 $0x29A600, s31;
	s8 =	sadd.s32 $0x2000, s30;
	s9 =	sadd.s32 $0xBE00, s30  }
.LBB2_1:
0xd: {  	s15 =	sadd.s32 $0x0, s9  }
0xe: {  	[tilespmem:s3], [sflag:$0x1] =	stream.linear.gather [hbm4b:s15+s3], $0x50, $0x38;
	[tilespmem:$0x28A0] =	vst v63  }
0xf: {  	_ =	swait.ge [sflag:s10], $0x50  }
0x10: {  	[sflag:s10] =	ssyncset.done $0x0  }
0x11: {  	s31 =	sadd.s32 $0x0, s8;
	[sflag:s10] =	ssyncadd.s32 $0xFFFFFFB0  }
0x12: {  	[tilespmem:s11], [sflag:$0x1] =	stream.linear.gather [hbm4b:s31+s3], $0x50, $0x38;
	[tilespmem:$0x28A0] =	vst v63  }
0x13: {  	_ =	swait.ge [sflag:s10], $0x50  }
0x14: {  	[sflag:s10] =	ssyncset.done $0x0  }
0x15: {  	[sflag:s10] =	ssyncadd.s32 $0xFFFFFFB0  }
0x16: {  	[tilespmem:s12], [sflag:$0x1] =	stream.indirect.gather [hbm4b:s1+s11], $0x40, s3, s11, $0xb8;
	[tilespmem:$0x28A0] =	vst v63  }
0x17: {  	_ =	swait.ge [sflag:s10], $0x1400  }
0x18: {  	[sflag:s10] =	ssyncset.done $0x0  }
0x19: {  	[sflag:s10] =	ssyncadd.s32 $0xFFFFEC00  }
0x1a: {  	[tilespmem:s13], [sflag:$0x1] =	stream.indirect.gather [hbm4b:s4+s11], $0x40, s11, s11, $0xb8;
	[tilespmem:$0x28A0] =	vst v63  }
0x1b: {  	_ =	swait.ge [sflag:s10], $0x1400  }
0x1c: {  	[sflag:s10] =	ssyncset.done $0x0  }
0x1d: {  	[sflag:s10] =	ssyncadd.s32 $0xFFFFEC00  }
0x1e: {  	[hbm4b:s7+s3] =	stream.linear.scatter [tilespmem:s12], [sflag:$0x1], $0x1400, $0x38;
	[tilespmem:$0x28A0] =	vst v63  }
0x1f: {  	_ =	swait.ge [sflag:s10], $0x1400  }
0x20: {  	[sflag:s10] =	ssyncset.done $0x0  }
0x21: {  	[sflag:s10] =	ssyncadd.s32 $0xFFFFEC00  }
0x22: {  	[hbm4b:s6+s3] =	stream.linear.scatter [tilespmem:s13], [sflag:$0x1], $0x1400, $0x38;
	[tilespmem:$0x28A0] =	vst v63  }
0x23: {  	s17 =	simm.s32 $0xA;
	s18 =	simm.s32 $0x14;
	_ =	swait.ge [sflag:s10], $0x1400  }
0x24: {  	s16 =	sadd.s32 $0x280, s7;
	s15 =	sadd.s32 $0x280, s6;
	[sflag:s10] =	ssyncset.done $0x0  }
.LBB2_2:
0x25: {  	s19 =	sadd.s32 s17, s9  }
0x26: {  	[sflag:s10] =	ssyncadd.s32 $0xFFFFEC00;
	s20 =	smov.u32 s18;
	s21 =	sadd.s32 $0xA, s18  }
0x27: {  	[tilespmem:s3], [sflag:$0x1] =	stream.linear.gather [hbm4b:s19+s3], $0x50, $0x38;
	[tilespmem:$0x28A0] =	vst v63  }
0x28: {  	p0 =	sne.s32 s18, $0x4D8;
	_ =	swait.ge [sflag:s10], $0x50  }
0x29: {  	[sflag:s10] =	ssyncset.done $0x0  }
0x2a: {  	s18 =	sadd.s32 s17, s8;
	s17 =	smov.u32 s20;
	[sflag:s10] =	ssyncadd.s32 $0xFFFFFFB0  }
0x2b: {  	[tilespmem:s11], [sflag:$0x1] =	stream.linear.gather [hbm4b:s18+s3], $0x50, $0x38;
	[tilespmem:$0x28A0] =	vst v63  }
0x2c: {  	_ =	swait.ge [sflag:s10], $0x50  }
0x2d: {  	[sflag:s10] =	ssyncset.done $0x0  }
0x2e: {  	[sflag:s10] =	ssyncadd.s32 $0xFFFFFFB0  }
0x2f: {  	[tilespmem:s12], [sflag:$0x1] =	stream.indirect.gather [hbm4b:s1+s11], $0x40, s3, s11, $0xb8;
	[tilespmem:$0x28A0] =	vst v63  }
0x30: {  	_ =	swait.ge [sflag:s10], $0x1400  }
0x31: {  	[sflag:s10] =	ssyncset.done $0x0  }
0x32: {  	[sflag:s10] =	ssyncadd.s32 $0xFFFFEC00  }
0x33: {  	[tilespmem:s13], [sflag:$0x1] =	stream.indirect.gather [hbm4b:s4+s11], $0x40, s11, s11, $0xb8;
	[tilespmem:$0x28A0] =	vst v63  }
0x34: {  	_ =	swait.ge [sflag:s10], $0x1400  }
0x35: {  	[sflag:s10] =	ssyncset.done $0x0  }
0x36: {  	[sflag:s10] =	ssyncadd.s32 $0xFFFFEC00  }
0x37: {  	[hbm4b:s16+s3] =	stream.linear.scatter [tilespmem:s12], [sflag:$0x1], $0x1400, $0x38;
	[tilespmem:$0x28A0] =	vst v63  }
0x38: {  	_ =	swait.ge [sflag:s10], $0x1400  }
.Ltmp0:
0x39: {  	[sflag:s10] =	ssyncset.done $0x0;
	(pc) =	sbr.rel @p0 .LBB2_2-.Ltmp0, $4  }
0x3a: {  	[sflag:s10] =	ssyncadd.s32 $0xFFFFEC00  }
0x3b: {  	[hbm4b:s15+s3] =	stream.linear.scatter [tilespmem:s13], [sflag:$0x1], $0x1400, $0x38;
	[tilespmem:$0x28A0] =	vst v63  }
0x3c: {  	s18 =	smov.u32 s21;
	_ =	swait.ge [sflag:s10], $0x1400  }
0x3d: {  	s16 =	sadd.s32 $0x280, s16;
	s15 =	sadd.s32 $0x280, s15;
	[sflag:s10] =	ssyncset.done $0x0  }
0x3e: {  	s18 =	sadd.s32 s17, s9;
	[sflag:s10] =	ssyncadd.s32 $0xFFFFEC00  }
0x3f: {  	[tilespmem:s3], [sflag:$0x1] =	stream.linear.gather [hbm4b:s18+s3], $0x50, $0x38;
	[tilespmem:$0x28A0] =	vst v63  }
0x40: {  	_ =	swait.ge [sflag:s10], $0x50  }
0x41: {  	[sflag:s10] =	ssyncset.done $0x0  }
0x42: {  	s31 =	sadd.s32 s17, s8;
	[sflag:s10] =	ssyncadd.s32 $0xFFFFFFB0  }
0x43: {  	[tilespmem:s11], [sflag:$0x1] =	stream.linear.gather [hbm4b:s31+s3], $0x50, $0x38;
	[tilespmem:$0x28A0] =	vst v63  }
0x44: {  	_ =	swait.ge [sflag:s10], $0x50  }
0x45: {  	[sflag:s10] =	ssyncset.done $0x0  }
0x46: {  	[sflag:s10] =	ssyncadd.s32 $0xFFFFFFB0  }
0x47: {  	[tilespmem:s12], [sflag:$0x1] =	stream.indirect.gather [hbm4b:s1+s11], $0x40, s3, s11, $0xb8;
	[tilespmem:$0x28A0] =	vst v63  }
0x48: {  	_ =	swait.ge [sflag:s10], $0x1400  }
0x49: {  	[sflag:s10] =	ssyncset.done $0x0  }
0x4a: {  	[sflag:s10] =	ssyncadd.s32 $0xFFFFEC00  }
0x4b: {  	[tilespmem:s13], [sflag:$0x1] =	stream.indirect.gather [hbm4b:s4+s11], $0x40, s11, s11, $0xb8;
	[tilespmem:$0x28A0] =	vst v63  }
0x4c: {  	_ =	swait.ge [sflag:s10], $0x1400  }
0x4d: {  	[sflag:s10] =	ssyncset.done $0x0  }
0x4e: {  	[sflag:s10] =	ssyncadd.s32 $0xFFFFEC00  }
0x4f: {  	[hbm4b:s16+s3] =	stream.linear.scatter [tilespmem:s12], [sflag:$0x1], $0x1400, $0x38;
	[tilespmem:$0x28A0] =	vst v63  }
0x50: {  	s14 =	sadd.s32 $0x1, s14;
	_ =	swait.ge [sflag:s10], $0x1400  }
0x51: {  	p0 =	sne.s32 s14, s5;
	[sflag:s10] =	ssyncset.done $0x0  }
.Ltmp1:
0x52: {  	[sflag:s10] =	ssyncadd.s32 $0xFFFFEC00;
	(pc) =	sbr.rel @p0 .LBB2_1-.Ltmp1, $4  }
0x53: {  	[hbm4b:s15+s3] =	stream.linear.scatter [tilespmem:s13], [sflag:$0x1], $0x1400, $0x38;
	[tilespmem:$0x28A0] =	vst v63  }
0x54: {  	_ =	swait.ge [sflag:s10], $0x1400  }
0x55: {  	[sflag:s10] =	ssyncset.done $0x0  }
0x56: {  	[sflag:s10] =	ssyncadd.s32 $0xFFFFEC00  }
0x57: {  	_ =	sfence.sel $0x180000  }
0x58: {  	[bflag:$0x0] =	sbarrier.arrive $0xFFFF  }
0x59: {  	p0 =	sne.s32 s2, $0x0;
	_ =	strace $0x9000004A  }
0x5a: {  	s0 =	sadd.s32 @!p0 $0x100000, s0;
	[bflag:$0x2] =	sbarrier.arrive $0xFFFF  }
0x5b: {  	[sflag:s0] =	ssyncadd.tile.s32 @!p0 $0x1;
	_ =	shalt  }
.Lfunc_end2:
_tile_overlayer_lowered:
.L_overlay_start_2:
0x5c: {  	(tag) =	ssettag $0x2  }
0x5d: {  	s0 =	rddreg [dreg:$0x0];
	s2 =	stileid.u32  }
0x5e: {  	s1 =	rddreg [dreg:$0x1];
	p0 =	sne.s32 s2, $0x0  }
0x5f: {  	s3 =	rddreg [dreg:$0x2];
	[bflag:$0x3] =	sbarrier.arrive $0xFFFF;
	s2 =	simm.s32 @!p0 $0x1C01  }
0x60: {  	[timem:s3], [sflag:s2] =	dma.local @!p0 [hbm:s0], s1  }
0x61: {  	s0 =	simm.s32 @!p0 $0x1  }
0x62: {  	_ =	swait.ge @!p0 [sflag:s0], s1  }
0x63: {  	s1 =	ssub.s32 @!p0 $0x0, s1;
	[sflag:s0] =	ssyncset.done @!p0 $0x0  }
0x64: {  	[sflag:s0] =	ssyncadd.s32 @!p0 s1  }
0x65: {  	[bflag:$0x3] =	sbarrier.arrive $0xFFFF  }
0x66: {  	_ =	shalt  }

</sc_bundles>
